<compile_context>
chip_gen: v7x
topology: tpu7x:2x2x1
jax: 0.10.2.dev20260603
libtpu: 0.0.44.dev20260713+nightly
codegen_flags: <defaults>
</compile_context>

<pallas_src>
import functools

import jax
import jax.numpy as jnp
from jax import lax
from jax.experimental import pallas as pl
from jax.experimental.pallas import tpu as pltpu
from jax.experimental.pallas import tpu_sc as plsc

_B = 4096
_H = 200
_D = 32
_NW = 32
_BPW = _B // _NW
_C0 = 128
_C1 = _H - _C0
_NBUF = 4


def _pool_body(x_hbm, emb_hbm, out_hbm, idx_v, rows_v, acc_v, *sems):
    c = lax.axis_index("c")
    s = lax.axis_index("s")
    wid = s * 2 + c
    base = wid * _BPW
    pltpu.sync_copy(x_hbm.at[pl.ds(base, _BPW)], idx_v)

    def issue(b, buf):
        pltpu.async_copy(emb_hbm.at[idx_v.at[b, pl.ds(0, _C0)]],
                         rows_v.at[buf, pl.ds(0, _C0)], sems[buf])
        pltpu.async_copy(emb_hbm.at[idx_v.at[b, pl.ds(_C0, _C1)]],
                         rows_v.at[buf, pl.ds(_C0, _C1)], sems[buf])

    def drain(b, buf):
        pltpu.make_async_copy(emb_hbm.at[idx_v.at[b, pl.ds(0, _C0)]],
                              rows_v.at[buf, pl.ds(0, _C0)], sems[buf]).wait()
        pltpu.make_async_copy(emb_hbm.at[idx_v.at[b, pl.ds(_C0, _C1)]],
                              rows_v.at[buf, pl.ds(_C0, _C1)], sems[buf]).wait()

    for p in range(_NBUF):
        issue(p, p)

    def one_group(t, carry):
        for p in range(_NBUF):
            b = _NBUF * t + p
            drain(b, p)

            def red(i, acc):
                new = list(acc)
                for k in range(2):
                    j = 2 * i + k
                    new[2 * k] = new[2 * k] + rows_v[p, j, 0:16]
                    new[2 * k + 1] = new[2 * k + 1] + rows_v[p, j, 16:32]
                return tuple(new)

            z = jnp.zeros((16,), jnp.float32)
            acc = lax.fori_loop(0, _H // 2, red, (z,) * 4, unroll=8)
            acc_v[b, 0:16] = acc[0] + acc[2]
            acc_v[b, 16:32] = acc[1] + acc[3]

            @pl.when(b + _NBUF < _BPW)
            def _():
                issue(b + _NBUF, p)
        return carry

    lax.fori_loop(0, _BPW // _NBUF, one_group, 0)
    pltpu.sync_copy(acc_v, out_hbm.at[pl.ds(base, _BPW)])


_pool = functools.partial(
    pl.kernel,
    out_type=jax.ShapeDtypeStruct((_B, _D), jnp.float32),
    mesh=plsc.VectorSubcoreMesh(core_axis_name="c", subcore_axis_name="s"),
    scratch_types=[
        pltpu.VMEM((_BPW, _H), jnp.int32),
        pltpu.VMEM((_NBUF, _H, _D), jnp.float32),
        pltpu.VMEM((_BPW, _D), jnp.float32),
    ] + [pltpu.SemaphoreType.DMA] * _NBUF,
    compiler_params=pltpu.CompilerParams(use_tc_tiling_on_sc=False,
                                         needs_layout_passes=False),
)(_pool_body)


def _mlp_body(p_ref, w1_ref, b1_ref, w2_ref, b2_ref, o_ref):
    h = p_ref[...] * (1.0 / _H)
    h = jnp.dot(h, w1_ref[...], preferred_element_type=jnp.float32) + b1_ref[...]
    h = jnp.maximum(h, 0.0)
    o_ref[...] = jnp.dot(h, w2_ref[...], preferred_element_type=jnp.float32) + b2_ref[...]


def kernel(x, emb, W1, b1, W2, b2):
    pooled = _pool(x, emb)
    w2p = jnp.zeros((_D, 128), jnp.float32).at[:, :10].set(W2)
    b2p = jnp.zeros((1, 128), jnp.float32).at[:, :10].set(b2)
    out = pl.pallas_call(
        _mlp_body,
        out_shape=jax.ShapeDtypeStruct((_B, 128), jnp.float32),
    )(pooled, W1, b1.reshape(1, _D), w2p, b2p)
    return out[:, :10]

# --- scband reference (transcript-rebuilt; emitter-appended) ---
"""Pipeline reference for scband-model-9148280340497 (READ-ONLY COPY).

The authoritative reference and input builder live on the scoring server;
editing this copy changes nothing except your own understanding.
"""

import jax, jax.numpy as jnp
import numpy as np

VOCAB = 1000000
EMBED_DIM = 32
HIDDEN = 32
NUM_CLASSES = 10
BATCH = 4096
HIST = 200

def setup_inputs(seed: int = 0) -> dict:
    key = jax.random.key(seed)
    k1, k2, k3, k4, k5, k6 = jax.random.split(key, 6)
    x = jax.random.randint(k1, (BATCH, HIST), 0, VOCAB, dtype=jnp.int64) if jax.config.jax_enable_x64 else jax.random.randint(k1, (BATCH, HIST), 0, VOCAB, dtype=jnp.int32)
    emb = jax.random.normal(k2, (VOCAB, EMBED_DIM), dtype=jnp.float32)
    W1 = jax.random.normal(k3, (EMBED_DIM, HIDDEN), dtype=jnp.float32) * (1.0 / np.sqrt(EMBED_DIM))
    b1 = jax.random.normal(k4, (HIDDEN,), dtype=jnp.float32) * 0.01
    W2 = jax.random.normal(k5, (HIDDEN, NUM_CLASSES), dtype=jnp.float32) * (1.0 / np.sqrt(HIDDEN))
    b2 = jax.random.normal(k6, (NUM_CLASSES,), dtype=jnp.float32) * 0.01
    return {"x": x, "emb": emb, "W1": W1, "b1": b1, "W2": W2, "b2": b2}

def reference(x, emb, W1, b1, W2, b2):
    h = jnp.take(emb, x, axis=0)          # [B, L, D] embedding gather
    h = h.mean(axis=1)                    # [B, D]
    h = h @ W1 + b1                       # fc1
    h = jnp.maximum(h, 0.0)               # relu
    out = h @ W2 + b2                     # fc2
    return out

if __name__ == "__main__":
    import jax
    _d = setup_inputs()
    print(jax.jit(kernel)(*tuple(_d.values())))

</pallas_src>

<mosaic_0001>
#map = affine_map<(d0, d1) -> (0, 0)>
module attributes {stable_mosaic.version = 14 : i64} {
  func.func @_pool_body(%arg0: i32, %arg1: i32, %arg2: memref<4096x200xi32, #tpu.memory_space<hbm>>, %arg3: memref<1000000x32xf32, #tpu.memory_space<hbm>>, %arg4: memref<4096x32xf32, #tpu.memory_space<hbm>>, %arg5: memref<128x200xi32, #tpu.memory_space<vmem>>, %arg6: memref<4x200x32xf32, #tpu.memory_space<vmem>>, %arg7: memref<128x32xf32, #tpu.memory_space<vmem>>, %arg8: memref<!tpu.dma_semaphore, #tpu.memory_space<semaphore_mem>>, %arg9: memref<!tpu.dma_semaphore, #tpu.memory_space<semaphore_mem>>, %arg10: memref<!tpu.dma_semaphore, #tpu.memory_space<semaphore_mem>>, %arg11: memref<!tpu.dma_semaphore, #tpu.memory_space<semaphore_mem>>) attributes {dimension_semantics = [#tpu.dimension_semantics<core_parallel>, #tpu.dimension_semantics<subcore_parallel>], iteration_bounds = array<i64: 2, 16>, scalar_prefetch = 0 : i64, scratch_operands = 7 : i64, tpu.core_type = #tpu.core_type<sc_vector_subcore>, window_params = [{transform_indices = #map}, {transform_indices = #map}, {transform_indices = #map}]} {
    %mul3A = arith.constant 2 : i32
    %mul3A_0 = arith.muli %arg1, %mul3A : i32
    %add3A = arith.addi %mul3A_0, %arg0 : i32
    %mul3A_1 = arith.constant 128 : i32
    %mul3A_2 = arith.muli %add3A, %mul3A_1 : i32
    "tpu.region"() ({
      %run_scoped3A = tpu.sem_alloc : memref<!tpu.dma_semaphore, #tpu.memory_space<semaphore_mem>>
      %dma_start3A_103 = arith.constant 0 : i32
      %dma_start3A_104 = tpu.memref_slice %arg2[%mul3A_2, %dma_start3A_103] : memref<4096x200xi32, #tpu.memory_space<hbm>> -> memref<128x200xi32, #tpu.memory_space<hbm>>
      %dma_start3A_105 = arith.constant 0 : i32
      %dma_start3A_106 = tpu.memref_slice %arg2[%mul3A_2, %dma_start3A_105] : memref<4096x200xi32, #tpu.memory_space<hbm>> -> memref<128x200xi32, #tpu.memory_space<hbm>>
      tpu.enqueue_dma source(%dma_start3A_106 : memref<128x200xi32, #tpu.memory_space<hbm>>) target(%arg5 : memref<128x200xi32, #tpu.memory_space<vmem>>) target_semaphore(%run_scoped3A : memref<!tpu.dma_semaphore, #tpu.memory_space<semaphore_mem>>)
      %dma_wait3A = arith.constant 0 : i32
      %dma_wait3A_107 = tpu.memref_slice %arg2[%mul3A_2, %dma_wait3A] : memref<4096x200xi32, #tpu.memory_space<hbm>> -> memref<128x200xi32, #tpu.memory_space<hbm>>
      %dma_wait3A_108 = arith.constant 0 : i32
      %dma_wait3A_109 = tpu.memref_slice %arg2[%mul3A_2, %dma_wait3A_108] : memref<4096x200xi32, #tpu.memory_space<hbm>> -> memref<128x200xi32, #tpu.memory_space<hbm>>
      tpu.wait_dma2 semaphore(%run_scoped3A : memref<!tpu.dma_semaphore, #tpu.memory_space<semaphore_mem>>) src(%dma_wait3A_109 : memref<128x200xi32, #tpu.memory_space<hbm>>) dst(%arg5 : memref<128x200xi32, #tpu.memory_space<vmem>>)
      tpu.yield
    }) : () -> ()
    %dma_start3A = arith.constant 0 : i32
    %dma_start3A_3 = arith.constant 0 : i32
    %dma_start3A_4 = arith.constant 0 : i32
    %dma_start3A_5 = arith.constant 0 : i32
    %dma_start3A_6 = tpu.memref_slice %arg6[%dma_start3A_3, %dma_start3A_4, %dma_start3A_5] : memref<4x200x32xf32, #tpu.memory_space<vmem>> -> memref<1x128x32xf32, #tpu.memory_space<vmem>>
    %dma_start3A_7 = tpu.memref_squeeze %dma_start3A_6 : memref<1x128x32xf32, #tpu.memory_space<vmem>> -> memref<128x32xf32, #tpu.memory_space<vmem>>
    %dma_start3A_8 = arith.constant 0 : i32
    %dma_start3A_9 = tpu.memref_slice %arg5[%dma_start3A, %dma_start3A_8] : memref<128x200xi32, #tpu.memory_space<vmem>> -> memref<1x128xi32, #tpu.memory_space<vmem>>
    %dma_start3A_10 = tpu.memref_squeeze %dma_start3A_9 : memref<1x128xi32, #tpu.memory_space<vmem>> -> memref<128xi32, #tpu.memory_space<vmem>>
    %dma_start3A_11 = arith.constant 0 : i32
    %dma_start3A_12 = arith.constant 0 : i32
    %dma_start3A_13 = tpu.memref_slice %arg3[%dma_start3A_11, %dma_start3A_12] : memref<1000000x32xf32, #tpu.memory_space<hbm>> -> memref<1000000x32xf32, #tpu.memory_space<hbm>>
    tpu.enqueue_indirect_dma source(%dma_start3A_13 : memref<1000000x32xf32, #tpu.memory_space<hbm>>) target(%dma_start3A_7 : memref<128x32xf32, #tpu.memory_space<vmem>>) offsets(%dma_start3A_10 : memref<128xi32, #tpu.memory_space<vmem>>) semaphore(%arg8 : memref<!tpu.dma_semaphore, #tpu.memory_space<semaphore_mem>>)
    %dma_start3A_14 = arith.constant 0 : i32
    %dma_start3A_15 = arith.constant 0 : i32
    %dma_start3A_16 = arith.constant 128 : i32
    %dma_start3A_17 = arith.constant 0 : i32
    %dma_start3A_18 = tpu.memref_slice %arg6[%dma_start3A_15, %dma_start3A_16, %dma_start3A_17] : memref<4x200x32xf32, #tpu.memory_space<vmem>> -> memref<1x72x32xf32, #tpu.memory_space<vmem>>
    %dma_start3A_19 = tpu.memref_squeeze %dma_start3A_18 : memref<1x72x32xf32, #tpu.memory_space<vmem>> -> memref<72x32xf32, #tpu.memory_space<vmem>>
    %dma_start3A_20 = arith.constant 128 : i32
    %dma_start3A_21 = tpu.memref_slice %arg5[%dma_start3A_14, %dma_start3A_20] : memref<128x200xi32, #tpu.memory_space<vmem>> -> memref<1x72xi32, #tpu.memory_space<vmem>>
    %dma_start3A_22 = tpu.memref_squeeze %dma_start3A_21 : memref<1x72xi32, #tpu.memory_space<vmem>> -> memref<72xi32, #tpu.memory_space<vmem>>
    %dma_start3A_23 = arith.constant 0 : i32
    %dma_start3A_24 = arith.constant 0 : i32
    %dma_start3A_25 = tpu.memref_slice %arg3[%dma_start3A_23, %dma_start3A_24] : memref<1000000x32xf32, #tpu.memory_space<hbm>> -> memref<1000000x32xf32, #tpu.memory_space<hbm>>
    tpu.enqueue_indirect_dma source(%dma_start3A_25 : memref<1000000x32xf32, #tpu.memory_space<hbm>>) target(%dma_start3A_19 : memref<72x32xf32, #tpu.memory_space<vmem>>) offsets(%dma_start3A_22 : memref<72xi32, #tpu.memory_space<vmem>>) semaphore(%arg8 : memref<!tpu.dma_semaphore, #tpu.memory_space<semaphore_mem>>)
    %dma_start3A_26 = arith.constant 1 : i32
    %dma_start3A_27 = arith.constant 1 : i32
    %dma_start3A_28 = arith.constant 0 : i32
    %dma_start3A_29 = arith.constant 0 : i32
    %dma_start3A_30 = tpu.memref_slice %arg6[%dma_start3A_27, %dma_start3A_28, %dma_start3A_29] : memref<4x200x32xf32, #tpu.memory_space<vmem>> -> memref<1x128x32xf32, #tpu.memory_space<vmem>>
    %dma_start3A_31 = tpu.memref_squeeze %dma_start3A_30 : memref<1x128x32xf32, #tpu.memory_space<vmem>> -> memref<128x32xf32, #tpu.memory_space<vmem>>
    %dma_start3A_32 = arith.constant 0 : i32
    %dma_start3A_33 = tpu.memref_slice %arg5[%dma_start3A_26, %dma_start3A_32] : memref<128x200xi32, #tpu.memory_space<vmem>> -> memref<1x128xi32, #tpu.memory_space<vmem>>
    %dma_start3A_34 = tpu.memref_squeeze %dma_start3A_33 : memref<1x128xi32, #tpu.memory_space<vmem>> -> memref<128xi32, #tpu.memory_space<vmem>>
    %dma_start3A_35 = arith.constant 0 : i32
    %dma_start3A_36 = arith.constant 0 : i32
    %dma_start3A_37 = tpu.memref_slice %arg3[%dma_start3A_35, %dma_start3A_36] : memref<1000000x32xf32, #tpu.memory_space<hbm>> -> memref<1000000x32xf32, #tpu.memory_space<hbm>>
    tpu.enqueue_indirect_dma source(%dma_start3A_37 : memref<1000000x32xf32, #tpu.memory_space<hbm>>) target(%dma_start3A_31 : memref<128x32xf32, #tpu.memory_space<vmem>>) offsets(%dma_start3A_34 : memref<128xi32, #tpu.memory_space<vmem>>) semaphore(%arg9 : memref<!tpu.dma_semaphore, #tpu.memory_space<semaphore_mem>>)
    %dma_start3A_38 = arith.constant 1 : i32
    %dma_start3A_39 = arith.constant 1 : i32
    %dma_start3A_40 = arith.constant 128 : i32
    %dma_start3A_41 = arith.constant 0 : i32
    %dma_start3A_42 = tpu.memref_slice %arg6[%dma_start3A_39, %dma_start3A_40, %dma_start3A_41] : memref<4x200x32xf32, #tpu.memory_space<vmem>> -> memref<1x72x32xf32, #tpu.memory_space<vmem>>
    %dma_start3A_43 = tpu.memref_squeeze %dma_start3A_42 : memref<1x72x32xf32, #tpu.memory_space<vmem>> -> memref<72x32xf32, #tpu.memory_space<vmem>>
    %dma_start3A_44 = arith.constant 128 : i32
    %dma_start3A_45 = tpu.memref_slice %arg5[%dma_start3A_38, %dma_start3A_44] : memref<128x200xi32, #tpu.memory_space<vmem>> -> memref<1x72xi32, #tpu.memory_space<vmem>>
    %dma_start3A_46 = tpu.memref_squeeze %dma_start3A_45 : memref<1x72xi32, #tpu.memory_space<vmem>> -> memref<72xi32, #tpu.memory_space<vmem>>
    %dma_start3A_47 = arith.constant 0 : i32
    %dma_start3A_48 = arith.constant 0 : i32
    %dma_start3A_49 = tpu.memref_slice %arg3[%dma_start3A_47, %dma_start3A_48] : memref<1000000x32xf32, #tpu.memory_space<hbm>> -> memref<1000000x32xf32, #tpu.memory_space<hbm>>
    tpu.enqueue_indirect_dma source(%dma_start3A_49 : memref<1000000x32xf32, #tpu.memory_space<hbm>>) target(%dma_start3A_43 : memref<72x32xf32, #tpu.memory_space<vmem>>) offsets(%dma_start3A_46 : memref<72xi32, #tpu.memory_space<vmem>>) semaphore(%arg9 : memref<!tpu.dma_semaphore, #tpu.memory_space<semaphore_mem>>)
    %dma_start3A_50 = arith.constant 2 : i32
    %dma_start3A_51 = arith.constant 2 : i32
    %dma_start3A_52 = arith.constant 0 : i32
    %dma_start3A_53 = arith.constant 0 : i32
    %dma_start3A_54 = tpu.memref_slice %arg6[%dma_start3A_51, %dma_start3A_52, %dma_start3A_53] : memref<4x200x32xf32, #tpu.memory_space<vmem>> -> memref<1x128x32xf32, #tpu.memory_space<vmem>>
    %dma_start3A_55 = tpu.memref_squeeze %dma_start3A_54 : memref<1x128x32xf32, #tpu.memory_space<vmem>> -> memref<128x32xf32, #tpu.memory_space<vmem>>
    %dma_start3A_56 = arith.constant 0 : i32
    %dma_start3A_57 = tpu.memref_slice %arg5[%dma_start3A_50, %dma_start3A_56] : memref<128x200xi32, #tpu.memory_space<vmem>> -> memref<1x128xi32, #tpu.memory_space<vmem>>
    %dma_start3A_58 = tpu.memref_squeeze %dma_start3A_57 : memref<1x128xi32, #tpu.memory_space<vmem>> -> memref<128xi32, #tpu.memory_space<vmem>>
    %dma_start3A_59 = arith.constant 0 : i32
    %dma_start3A_60 = arith.constant 0 : i32
    %dma_start3A_61 = tpu.memref_slice %arg3[%dma_start3A_59, %dma_start3A_60] : memref<1000000x32xf32, #tpu.memory_space<hbm>> -> memref<1000000x32xf32, #tpu.memory_space<hbm>>
    tpu.enqueue_indirect_dma source(%dma_start3A_61 : memref<1000000x32xf32, #tpu.memory_space<hbm>>) target(%dma_start3A_55 : memref<128x32xf32, #tpu.memory_space<vmem>>) offsets(%dma_start3A_58 : memref<128xi32, #tpu.memory_space<vmem>>) semaphore(%arg10 : memref<!tpu.dma_semaphore, #tpu.memory_space<semaphore_mem>>)
    %dma_start3A_62 = arith.constant 2 : i32
    %dma_start3A_63 = arith.constant 2 : i32
    %dma_start3A_64 = arith.constant 128 : i32
    %dma_start3A_65 = arith.constant 0 : i32
    %dma_start3A_66 = tpu.memref_slice %arg6[%dma_start3A_63, %dma_start3A_64, %dma_start3A_65] : memref<4x200x32xf32, #tpu.memory_space<vmem>> -> memref<1x72x32xf32, #tpu.memory_space<vmem>>
    %dma_start3A_67 = tpu.memref_squeeze %dma_start3A_66 : memref<1x72x32xf32, #tpu.memory_space<vmem>> -> memref<72x32xf32, #tpu.memory_space<vmem>>
    %dma_start3A_68 = arith.constant 128 : i32
    %dma_start3A_69 = tpu.memref_slice %arg5[%dma_start3A_62, %dma_start3A_68] : memref<128x200xi32, #tpu.memory_space<vmem>> -> memref<1x72xi32, #tpu.memory_space<vmem>>
    %dma_start3A_70 = tpu.memref_squeeze %dma_start3A_69 : memref<1x72xi32, #tpu.memory_space<vmem>> -> memref<72xi32, #tpu.memory_space<vmem>>
    %dma_start3A_71 = arith.constant 0 : i32
    %dma_start3A_72 = arith.constant 0 : i32
    %dma_start3A_73 = tpu.memref_slice %arg3[%dma_start3A_71, %dma_start3A_72] : memref<1000000x32xf32, #tpu.memory_space<hbm>> -> memref<1000000x32xf32, #tpu.memory_space<hbm>>
    tpu.enqueue_indirect_dma source(%dma_start3A_73 : memref<1000000x32xf32, #tpu.memory_space<hbm>>) target(%dma_start3A_67 : memref<72x32xf32, #tpu.memory_space<vmem>>) offsets(%dma_start3A_70 : memref<72xi32, #tpu.memory_space<vmem>>) semaphore(%arg10 : memref<!tpu.dma_semaphore, #tpu.memory_space<semaphore_mem>>)
    %dma_start3A_74 = arith.constant 3 : i32
    %dma_start3A_75 = arith.constant 3 : i32
    %dma_start3A_76 = arith.constant 0 : i32
    %dma_start3A_77 = arith.constant 0 : i32
    %dma_start3A_78 = tpu.memref_slice %arg6[%dma_start3A_75, %dma_start3A_76, %dma_start3A_77] : memref<4x200x32xf32, #tpu.memory_space<vmem>> -> memref<1x128x32xf32, #tpu.memory_space<vmem>>
    %dma_start3A_79 = tpu.memref_squeeze %dma_start3A_78 : memref<1x128x32xf32, #tpu.memory_space<vmem>> -> memref<128x32xf32, #tpu.memory_space<vmem>>
    %dma_start3A_80 = arith.constant 0 : i32
    %dma_start3A_81 = tpu.memref_slice %arg5[%dma_start3A_74, %dma_start3A_80] : memref<128x200xi32, #tpu.memory_space<vmem>> -> memref<1x128xi32, #tpu.memory_space<vmem>>
    %dma_start3A_82 = tpu.memref_squeeze %dma_start3A_81 : memref<1x128xi32, #tpu.memory_space<vmem>> -> memref<128xi32, #tpu.memory_space<vmem>>
    %dma_start3A_83 = arith.constant 0 : i32
    %dma_start3A_84 = arith.constant 0 : i32
    %dma_start3A_85 = tpu.memref_slice %arg3[%dma_start3A_83, %dma_start3A_84] : memref<1000000x32xf32, #tpu.memory_space<hbm>> -> memref<1000000x32xf32, #tpu.memory_space<hbm>>
    tpu.enqueue_indirect_dma source(%dma_start3A_85 : memref<1000000x32xf32, #tpu.memory_space<hbm>>) target(%dma_start3A_79 : memref<128x32xf32, #tpu.memory_space<vmem>>) offsets(%dma_start3A_82 : memref<128xi32, #tpu.memory_space<vmem>>) semaphore(%arg11 : memref<!tpu.dma_semaphore, #tpu.memory_space<semaphore_mem>>)
    %dma_start3A_86 = arith.constant 3 : i32
    %dma_start3A_87 = arith.constant 3 : i32
    %dma_start3A_88 = arith.constant 128 : i32
    %dma_start3A_89 = arith.constant 0 : i32
    %dma_start3A_90 = tpu.memref_slice %arg6[%dma_start3A_87, %dma_start3A_88, %dma_start3A_89] : memref<4x200x32xf32, #tpu.memory_space<vmem>> -> memref<1x72x32xf32, #tpu.memory_space<vmem>>
    %dma_start3A_91 = tpu.memref_squeeze %dma_start3A_90 : memref<1x72x32xf32, #tpu.memory_space<vmem>> -> memref<72x32xf32, #tpu.memory_space<vmem>>
    %dma_start3A_92 = arith.constant 128 : i32
    %dma_start3A_93 = tpu.memref_slice %arg5[%dma_start3A_86, %dma_start3A_92] : memref<128x200xi32, #tpu.memory_space<vmem>> -> memref<1x72xi32, #tpu.memory_space<vmem>>
    %dma_start3A_94 = tpu.memref_squeeze %dma_start3A_93 : memref<1x72xi32, #tpu.memory_space<vmem>> -> memref<72xi32, #tpu.memory_space<vmem>>
    %dma_start3A_95 = arith.constant 0 : i32
    %dma_start3A_96 = arith.constant 0 : i32
    %dma_start3A_97 = tpu.memref_slice %arg3[%dma_start3A_95, %dma_start3A_96] : memref<1000000x32xf32, #tpu.memory_space<hbm>> -> memref<1000000x32xf32, #tpu.memory_space<hbm>>
    tpu.enqueue_indirect_dma source(%dma_start3A_97 : memref<1000000x32xf32, #tpu.memory_space<hbm>>) target(%dma_start3A_91 : memref<72x32xf32, #tpu.memory_space<vmem>>) offsets(%dma_start3A_94 : memref<72xi32, #tpu.memory_space<vmem>>) semaphore(%arg11 : memref<!tpu.dma_semaphore, #tpu.memory_space<semaphore_mem>>)
    %scan3A = arith.constant 0 : i32
    %scan3A_98 = arith.constant 0 : i32
    %scan3A_99 = arith.constant 32 : i32
    %scan3A_100 = arith.addi %scan3A_98, %scan3A_99 : i32
    %scan3A_101 = arith.constant 1 : i32
    scf.for %scan3A_103 = %scan3A_98 to %scan3A_100 step %scan3A_101  : i32 {
      %mul3A_104 = arith.constant 4 : i32
      %mul3A_105 = arith.muli %mul3A_104, %scan3A_103 : i32
      %add3A_106 = arith.constant 0 : i32
      %add3A_107 = arith.addi %mul3A_105, %add3A_106 : i32
      %dma_wait3A = arith.constant 0 : i32
      %dma_wait3A_108 = arith.constant 0 : i32
      %dma_wait3A_109 = arith.constant 0 : i32
      %dma_wait3A_110 = tpu.memref_slice %arg6[%dma_wait3A, %dma_wait3A_108, %dma_wait3A_109] : memref<4x200x32xf32, #tpu.memory_space<vmem>> -> memref<1x128x32xf32, #tpu.memory_space<vmem>>
      %dma_wait3A_111 = tpu.memref_squeeze %dma_wait3A_110 : memref<1x128x32xf32, #tpu.memory_space<vmem>> -> memref<128x32xf32, #tpu.memory_space<vmem>>
      %dma_wait3A_112 = arith.constant 0 : i32
      %dma_wait3A_113 = tpu.memref_slice %arg5[%add3A_107, %dma_wait3A_112] : memref<128x200xi32, #tpu.memory_space<vmem>> -> memref<1x128xi32, #tpu.memory_space<vmem>>
      %dma_wait3A_114 = tpu.memref_squeeze %dma_wait3A_113 : memref<1x128xi32, #tpu.memory_space<vmem>> -> memref<128xi32, #tpu.memory_space<vmem>>
      %dma_wait3A_115 = arith.constant 0 : i32
      %dma_wait3A_116 = arith.constant 0 : i32
      %dma_wait3A_117 = tpu.memref_slice %arg3[%dma_wait3A_115, %dma_wait3A_116] : memref<1000000x32xf32, #tpu.memory_space<hbm>> -> memref<1000000x32xf32, #tpu.memory_space<hbm>>
      tpu.wait_indirect_dma semaphore(%arg8 : memref<!tpu.dma_semaphore, #tpu.memory_space<semaphore_mem>>) src(%dma_wait3A_117 : memref<1000000x32xf32, #tpu.memory_space<hbm>>) dst(%dma_wait3A_111 : memref<128x32xf32, #tpu.memory_space<vmem>>)
      %dma_wait3A_118 = arith.constant 0 : i32
      %dma_wait3A_119 = arith.constant 128 : i32
      %dma_wait3A_120 = arith.constant 0 : i32
      %dma_wait3A_121 = tpu.memref_slice %arg6[%dma_wait3A_118, %dma_wait3A_119, %dma_wait3A_120] : memref<4x200x32xf32, #tpu.memory_space<vmem>> -> memref<1x72x32xf32, #tpu.memory_space<vmem>>
      %dma_wait3A_122 = tpu.memref_squeeze %dma_wait3A_121 : memref<1x72x32xf32, #tpu.memory_space<vmem>> -> memref<72x32xf32, #tpu.memory_space<vmem>>
      %dma_wait3A_123 = arith.constant 128 : i32
      %dma_wait3A_124 = tpu.memref_slice %arg5[%add3A_107, %dma_wait3A_123] : memref<128x200xi32, #tpu.memory_space<vmem>> -> memref<1x72xi32, #tpu.memory_space<vmem>>
      %dma_wait3A_125 = tpu.memref_squeeze %dma_wait3A_124 : memref<1x72xi32, #tpu.memory_space<vmem>> -> memref<72xi32, #tpu.memory_space<vmem>>
      %dma_wait3A_126 = arith.constant 0 : i32
      %dma_wait3A_127 = arith.constant 0 : i32
      %dma_wait3A_128 = tpu.memref_slice %arg3[%dma_wait3A_126, %dma_wait3A_127] : memref<1000000x32xf32, #tpu.memory_space<hbm>> -> memref<1000000x32xf32, #tpu.memory_space<hbm>>
      tpu.wait_indirect_dma semaphore(%arg8 : memref<!tpu.dma_semaphore, #tpu.memory_space<semaphore_mem>>) src(%dma_wait3A_128 : memref<1000000x32xf32, #tpu.memory_space<hbm>>) dst(%dma_wait3A_122 : memref<72x32xf32, #tpu.memory_space<vmem>>)
      %broadcast_in_dim3A = arith.constant 0.000000e+00 : f32
      %broadcast_in_dim3A_129 = vector.broadcast %broadcast_in_dim3A : f32 to vector<16xf32>
      %scan3A_130 = arith.constant 0 : i32
      %scan3A_131 = arith.constant 96 : i32
      %scan3A_132 = arith.addi %scan3A_130, %scan3A_131 : i32
      %scan3A_133 = arith.constant 8 : i32
      %scan3A_134:4 = scf.for %scan3A_837 = %scan3A_130 to %scan3A_132 step %scan3A_133 iter_args(%scan3A_838 = %broadcast_in_dim3A_129, %scan3A_839 = %broadcast_in_dim3A_129, %scan3A_840 = %broadcast_in_dim3A_129, %scan3A_841 = %broadcast_in_dim3A_129) -> (vector<16xf32>, vector<16xf32>, vector<16xf32>, vector<16xf32>)  : i32 {
        %mul3A_842 = arith.constant 2 : i32
        %mul3A_843 = arith.muli %mul3A_842, %scan3A_837 : i32
        %add3A_844 = arith.constant 0 : i32
        %add3A_845 = arith.addi %mul3A_843, %add3A_844 : i32
        %get3A_846 = arith.constant 0 : i32
        %get3A_847 = arith.index_cast %get3A_846 : i32 to index
        %get3A_848 = arith.index_cast %add3A_845 : i32 to index
        %get3A_849 = arith.constant 0 : index
        %get3A_850 = tpu.vector_load %arg6[%get3A_847, %get3A_848, %get3A_849] {strides = array<i32>} : memref<4x200x32xf32, #tpu.memory_space<vmem>>, vector<16xf32>,
        %add3A_851 = arith.addf %scan3A_838, %get3A_850 : vector<16xf32>
        %get3A_852 = arith.constant 0 : i32
        %get3A_853 = arith.index_cast %get3A_852 : i32 to index
        %get3A_854 = arith.index_cast %add3A_845 : i32 to index
        %get3A_855 = arith.constant 16 : index
        %get3A_856 = tpu.vector_load %arg6[%get3A_853, %get3A_854, %get3A_855] {strides = array<i32>} : memref<4x200x32xf32, #tpu.memory_space<vmem>>, vector<16xf32>,
        %add3A_857 = arith.addf %scan3A_839, %get3A_856 : vector<16xf32>
        %mul3A_858 = arith.constant 2 : i32
        %mul3A_859 = arith.muli %mul3A_858, %scan3A_837 : i32
        %add3A_860 = arith.constant 1 : i32
        %add3A_861 = arith.addi %mul3A_859, %add3A_860 : i32
        %get3A_862 = arith.constant 0 : i32
        %get3A_863 = arith.index_cast %get3A_862 : i32 to index
        %get3A_864 = arith.index_cast %add3A_861 : i32 to index
        %get3A_865 = arith.constant 0 : index
        %get3A_866 = tpu.vector_load %arg6[%get3A_863, %get3A_864, %get3A_865] {strides = array<i32>} : memref<4x200x32xf32, #tpu.memory_space<vmem>>, vector<16xf32>,
        %add3A_867 = arith.addf %scan3A_840, %get3A_866 : vector<16xf32>
        %get3A_868 = arith.constant 0 : i32
        %get3A_869 = arith.index_cast %get3A_868 : i32 to index
        %get3A_870 = arith.index_cast %add3A_861 : i32 to index
        %get3A_871 = arith.constant 16 : index
        %get3A_872 = tpu.vector_load %arg6[%get3A_869, %get3A_870, %get3A_871] {strides = array<i32>} : memref<4x200x32xf32, #tpu.memory_space<vmem>>, vector<16xf32>,
        %add3A_873 = arith.addf %scan3A_841, %get3A_872 : vector<16xf32>
        %scan3A_874 = arith.constant 1 : i32
        %scan3A_875 = arith.addi %scan3A_837, %scan3A_874 : i32
        %mul3A_876 = arith.constant 2 : i32
        %mul3A_877 = arith.muli %mul3A_876, %scan3A_875 : i32
        %add3A_878 = arith.constant 0 : i32
        %add3A_879 = arith.addi %mul3A_877, %add3A_878 : i32
        %get3A_880 = arith.constant 0 : i32
        %get3A_881 = arith.index_cast %get3A_880 : i32 to index
        %get3A_882 = arith.index_cast %add3A_879 : i32 to index
        %get3A_883 = arith.constant 0 : index
        %get3A_884 = tpu.vector_load %arg6[%get3A_881, %get3A_882, %get3A_883] {strides = array<i32>} : memref<4x200x32xf32, #tpu.memory_space<vmem>>, vector<16xf32>,
        %add3A_885 = arith.addf %add3A_851, %get3A_884 : vector<16xf32>
        %get3A_886 = arith.constant 0 : i32
        %get3A_887 = arith.index_cast %get3A_886 : i32 to index
        %get3A_888 = arith.index_cast %add3A_879 : i32 to index
        %get3A_889 = arith.constant 16 : index
        %get3A_890 = tpu.vector_load %arg6[%get3A_887, %get3A_888, %get3A_889] {strides = array<i32>} : memref<4x200x32xf32, #tpu.memory_space<vmem>>, vector<16xf32>,
        %add3A_891 = arith.addf %add3A_857, %get3A_890 : vector<16xf32>
        %mul3A_892 = arith.constant 2 : i32
        %mul3A_893 = arith.muli %mul3A_892, %scan3A_875 : i32
        %add3A_894 = arith.constant 1 : i32
        %add3A_895 = arith.addi %mul3A_893, %add3A_894 : i32
        %get3A_896 = arith.constant 0 : i32
        %get3A_897 = arith.index_cast %get3A_896 : i32 to index
        %get3A_898 = arith.index_cast %add3A_895 : i32 to index
        %get3A_899 = arith.constant 0 : index
        %get3A_900 = tpu.vector_load %arg6[%get3A_897, %get3A_898, %get3A_899] {strides = array<i32>} : memref<4x200x32xf32, #tpu.memory_space<vmem>>, vector<16xf32>,
        %add3A_901 = arith.addf %add3A_867, %get3A_900 : vector<16xf32>
        %get3A_902 = arith.constant 0 : i32
        %get3A_903 = arith.index_cast %get3A_902 : i32 to index
        %get3A_904 = arith.index_cast %add3A_895 : i32 to index
        %get3A_905 = arith.constant 16 : index
        %get3A_906 = tpu.vector_load %arg6[%get3A_903, %get3A_904, %get3A_905] {strides = array<i32>} : memref<4x200x32xf32, #tpu.memory_space<vmem>>, vector<16xf32>,
        %add3A_907 = arith.addf %add3A_873, %get3A_906 : vector<16xf32>
        %scan3A_908 = arith.constant 2 : i32
        %scan3A_909 = arith.addi %scan3A_837, %scan3A_908 : i32
        %mul3A_910 = arith.constant 2 : i32
        %mul3A_911 = arith.muli %mul3A_910, %scan3A_909 : i32
        %add3A_912 = arith.constant 0 : i32
        %add3A_913 = arith.addi %mul3A_911, %add3A_912 : i32
        %get3A_914 = arith.constant 0 : i32
        %get3A_915 = arith.index_cast %get3A_914 : i32 to index
        %get3A_916 = arith.index_cast %add3A_913 : i32 to index
        %get3A_917 = arith.constant 0 : index
        %get3A_918 = tpu.vector_load %arg6[%get3A_915, %get3A_916, %get3A_917] {strides = array<i32>} : memref<4x200x32xf32, #tpu.memory_space<vmem>>, vector<16xf32>,
        %add3A_919 = arith.addf %add3A_885, %get3A_918 : vector<16xf32>
        %get3A_920 = arith.constant 0 : i32
        %get3A_921 = arith.index_cast %get3A_920 : i32 to index
        %get3A_922 = arith.index_cast %add3A_913 : i32 to index
        %get3A_923 = arith.constant 16 : index
        %get3A_924 = tpu.vector_load %arg6[%get3A_921, %get3A_922, %get3A_923] {strides = array<i32>} : memref<4x200x32xf32, #tpu.memory_space<vmem>>, vector<16xf32>,
        %add3A_925 = arith.addf %add3A_891, %get3A_924 : vector<16xf32>
        %mul3A_926 = arith.constant 2 : i32
        %mul3A_927 = arith.muli %mul3A_926, %scan3A_909 : i32
        %add3A_928 = arith.constant 1 : i32
        %add3A_929 = arith.addi %mul3A_927, %add3A_928 : i32
        %get3A_930 = arith.constant 0 : i32
        %get3A_931 = arith.index_cast %get3A_930 : i32 to index
        %get3A_932 = arith.index_cast %add3A_929 : i32 to index
        %get3A_933 = arith.constant 0 : index
        %get3A_934 = tpu.vector_load %arg6[%get3A_931, %get3A_932, %get3A_933] {strides = array<i32>} : memref<4x200x32xf32, #tpu.memory_space<vmem>>, vector<16xf32>,
        %add3A_935 = arith.addf %add3A_901, %get3A_934 : vector<16xf32>
        %get3A_936 = arith.constant 0 : i32
        %get3A_937 = arith.index_cast %get3A_936 : i32 to index
        %get3A_938 = arith.index_cast %add3A_929 : i32 to index
        %get3A_939 = arith.constant 16 : index
        %get3A_940 = tpu.vector_load %arg6[%get3A_937, %get3A_938, %get3A_939] {strides = array<i32>} : memref<4x200x32xf32, #tpu.memory_space<vmem>>, vector<16xf32>,
        %add3A_941 = arith.addf %add3A_907, %get3A_940 : vector<16xf32>
        %scan3A_942 = arith.constant 3 : i32
        %scan3A_943 = arith.addi %scan3A_837, %scan3A_942 : i32
        %mul3A_944 = arith.constant 2 : i32
        %mul3A_945 = arith.muli %mul3A_944, %scan3A_943 : i32
        %add3A_946 = arith.constant 0 : i32
        %add3A_947 = arith.addi %mul3A_945, %add3A_946 : i32
        %get3A_948 = arith.constant 0 : i32
        %get3A_949 = arith.index_cast %get3A_948 : i32 to index
        %get3A_950 = arith.index_cast %add3A_947 : i32 to index
        %get3A_951 = arith.constant 0 : index
        %get3A_952 = tpu.vector_load %arg6[%get3A_949, %get3A_950, %get3A_951] {strides = array<i32>} : memref<4x200x32xf32, #tpu.memory_space<vmem>>, vector<16xf32>,
        %add3A_953 = arith.addf %add3A_919, %get3A_952 : vector<16xf32>
        %get3A_954 = arith.constant 0 : i32
        %get3A_955 = arith.index_cast %get3A_954 : i32 to index
        %get3A_956 = arith.index_cast %add3A_947 : i32 to index
        %get3A_957 = arith.constant 16 : index
        %get3A_958 = tpu.vector_load %arg6[%get3A_955, %get3A_956, %get3A_957] {strides = array<i32>} : memref<4x200x32xf32, #tpu.memory_space<vmem>>, vector<16xf32>,
        %add3A_959 = arith.addf %add3A_925, %get3A_958 : vector<16xf32>
        %mul3A_960 = arith.constant 2 : i32
        %mul3A_961 = arith.muli %mul3A_960, %scan3A_943 : i32
        %add3A_962 = arith.constant 1 : i32
        %add3A_963 = arith.addi %mul3A_961, %add3A_962 : i32
        %get3A_964 = arith.constant 0 : i32
        %get3A_965 = arith.index_cast %get3A_964 : i32 to index
        %get3A_966 = arith.index_cast %add3A_963 : i32 to index
        %get3A_967 = arith.constant 0 : index
        %get3A_968 = tpu.vector_load %arg6[%get3A_965, %get3A_966, %get3A_967] {strides = array<i32>} : memref<4x200x32xf32, #tpu.memory_space<vmem>>, vector<16xf32>,
        %add3A_969 = arith.addf %add3A_935, %get3A_968 : vector<16xf32>
        %get3A_970 = arith.constant 0 : i32
        %get3A_971 = arith.index_cast %get3A_970 : i32 to index
        %get3A_972 = arith.index_cast %add3A_963 : i32 to index
        %get3A_973 = arith.constant 16 : index
        %get3A_974 = tpu.vector_load %arg6[%get3A_971, %get3A_972, %get3A_973] {strides = array<i32>} : memref<4x200x32xf32, #tpu.memory_space<vmem>>, vector<16xf32>,
        %add3A_975 = arith.addf %add3A_941, %get3A_974 : vector<16xf32>
        %scan3A_976 = arith.constant 4 : i32
        %scan3A_977 = arith.addi %scan3A_837, %scan3A_976 : i32
        %mul3A_978 = arith.constant 2 : i32
        %mul3A_979 = arith.muli %mul3A_978, %scan3A_977 : i32
        %add3A_980 = arith.constant 0 : i32
        %add3A_981 = arith.addi %mul3A_979, %add3A_980 : i32
        %get3A_982 = arith.constant 0 : i32
        %get3A_983 = arith.index_cast %get3A_982 : i32 to index
        %get3A_984 = arith.index_cast %add3A_981 : i32 to index
        %get3A_985 = arith.constant 0 : index
        %get3A_986 = tpu.vector_load %arg6[%get3A_983, %get3A_984, %get3A_985] {strides = array<i32>} : memref<4x200x32xf32, #tpu.memory_space<vmem>>, vector<16xf32>,
        %add3A_987 = arith.addf %add3A_953, %get3A_986 : vector<16xf32>
        %get3A_988 = arith.constant 0 : i32
        %get3A_989 = arith.index_cast %get3A_988 : i32 to index
        %get3A_990 = arith.index_cast %add3A_981 : i32 to index
        %get3A_991 = arith.constant 16 : index
        %get3A_992 = tpu.vector_load %arg6[%get3A_989, %get3A_990, %get3A_991] {strides = array<i32>} : memref<4x200x32xf32, #tpu.memory_space<vmem>>, vector<16xf32>,
        %add3A_993 = arith.addf %add3A_959, %get3A_992 : vector<16xf32>
        %mul3A_994 = arith.constant 2 : i32
        %mul3A_995 = arith.muli %mul3A_994, %scan3A_977 : i32
        %add3A_996 = arith.constant 1 : i32
        %add3A_997 = arith.addi %mul3A_995, %add3A_996 : i32
        %get3A_998 = arith.constant 0 : i32
        %get3A_999 = arith.index_cast %get3A_998 : i32 to index
        %get3A_1000 = arith.index_cast %add3A_997 : i32 to index
        %get3A_1001 = arith.constant 0 : index
        %get3A_1002 = tpu.vector_load %arg6[%get3A_999, %get3A_1000, %get3A_1001] {strides = array<i32>} : memref<4x200x32xf32, #tpu.memory_space<vmem>>, vector<16xf32>,
        %add3A_1003 = arith.addf %add3A_969, %get3A_1002 : vector<16xf32>
        %get3A_1004 = arith.constant 0 : i32
        %get3A_1005 = arith.index_cast %get3A_1004 : i32 to index
        %get3A_1006 = arith.index_cast %add3A_997 : i32 to index
        %get3A_1007 = arith.constant 16 : index
        %get3A_1008 = tpu.vector_load %arg6[%get3A_1005, %get3A_1006, %get3A_1007] {strides = array<i32>} : memref<4x200x32xf32, #tpu.memory_space<vmem>>, vector<16xf32>,
        %add3A_1009 = arith.addf %add3A_975, %get3A_1008 : vector<16xf32>
        %scan3A_1010 = arith.constant 5 : i32
        %scan3A_1011 = arith.addi %scan3A_837, %scan3A_1010 : i32
        %mul3A_1012 = arith.constant 2 : i32
        %mul3A_1013 = arith.muli %mul3A_1012, %scan3A_1011 : i32
        %add3A_1014 = arith.constant 0 : i32
        %add3A_1015 = arith.addi %mul3A_1013, %add3A_1014 : i32
        %get3A_1016 = arith.constant 0 : i32
        %get3A_1017 = arith.index_cast %get3A_1016 : i32 to index
        %get3A_1018 = arith.index_cast %add3A_1015 : i32 to index
        %get3A_1019 = arith.constant 0 : index
        %get3A_1020 = tpu.vector_load %arg6[%get3A_1017, %get3A_1018, %get3A_1019] {strides = array<i32>} : memref<4x200x32xf32, #tpu.memory_space<vmem>>, vector<16xf32>,
        %add3A_1021 = arith.addf %add3A_987, %get3A_1020 : vector<16xf32>
        %get3A_1022 = arith.constant 0 : i32
        %get3A_1023 = arith.index_cast %get3A_1022 : i32 to index
        %get3A_1024 = arith.index_cast %add3A_1015 : i32 to index
        %get3A_1025 = arith.constant 16 : index
        %get3A_1026 = tpu.vector_load %arg6[%get3A_1023, %get3A_1024, %get3A_1025] {strides = array<i32>} : memref<4x200x32xf32, #tpu.memory_space<vmem>>, vector<16xf32>,
        %add3A_1027 = arith.addf %add3A_993, %get3A_1026 : vector<16xf32>
        %mul3A_1028 = arith.constant 2 : i32
        %mul3A_1029 = arith.muli %mul3A_1028, %scan3A_1011 : i32
        %add3A_1030 = arith.constant 1 : i32
        %add3A_1031 = arith.addi %mul3A_1029, %add3A_1030 : i32
        %get3A_1032 = arith.constant 0 : i32
        %get3A_1033 = arith.index_cast %get3A_1032 : i32 to index
        %get3A_1034 = arith.index_cast %add3A_1031 : i32 to index
        %get3A_1035 = arith.constant 0 : index
        %get3A_1036 = tpu.vector_load %arg6[%get3A_1033, %get3A_1034, %get3A_1035] {strides = array<i32>} : memref<4x200x32xf32, #tpu.memory_space<vmem>>, vector<16xf32>,
        %add3A_1037 = arith.addf %add3A_1003, %get3A_1036 : vector<16xf32>
        %get3A_1038 = arith.constant 0 : i32
        %get3A_1039 = arith.index_cast %get3A_1038 : i32 to index
        %get3A_1040 = arith.index_cast %add3A_1031 : i32 to index
        %get3A_1041 = arith.constant 16 : index
        %get3A_1042 = tpu.vector_load %arg6[%get3A_1039, %get3A_1040, %get3A_1041] {strides = array<i32>} : memref<4x200x32xf32, #tpu.memory_space<vmem>>, vector<16xf32>,
        %add3A_1043 = arith.addf %add3A_1009, %get3A_1042 : vector<16xf32>
        %scan3A_1044 = arith.constant 6 : i32
        %scan3A_1045 = arith.addi %scan3A_837, %scan3A_1044 : i32
        %mul3A_1046 = arith.constant 2 : i32
        %mul3A_1047 = arith.muli %mul3A_1046, %scan3A_1045 : i32
        %add3A_1048 = arith.constant 0 : i32
        %add3A_1049 = arith.addi %mul3A_1047, %add3A_1048 : i32
        %get3A_1050 = arith.constant 0 : i32
        %get3A_1051 = arith.index_cast %get3A_1050 : i32 to index
        %get3A_1052 = arith.index_cast %add3A_1049 : i32 to index
        %get3A_1053 = arith.constant 0 : index
        %get3A_1054 = tpu.vector_load %arg6[%get3A_1051, %get3A_1052, %get3A_1053] {strides = array<i32>} : memref<4x200x32xf32, #tpu.memory_space<vmem>>, vector<16xf32>,
        %add3A_1055 = arith.addf %add3A_1021, %get3A_1054 : vector<16xf32>
        %get3A_1056 = arith.constant 0 : i32
        %get3A_1057 = arith.index_cast %get3A_1056 : i32 to index
        %get3A_1058 = arith.index_cast %add3A_1049 : i32 to index
        %get3A_1059 = arith.constant 16 : index
        %get3A_1060 = tpu.vector_load %arg6[%get3A_1057, %get3A_1058, %get3A_1059] {strides = array<i32>} : memref<4x200x32xf32, #tpu.memory_space<vmem>>, vector<16xf32>,
        %add3A_1061 = arith.addf %add3A_1027, %get3A_1060 : vector<16xf32>
        %mul3A_1062 = arith.constant 2 : i32
        %mul3A_1063 = arith.muli %mul3A_1062, %scan3A_1045 : i32
        %add3A_1064 = arith.constant 1 : i32
        %add3A_1065 = arith.addi %mul3A_1063, %add3A_1064 : i32
        %get3A_1066 = arith.constant 0 : i32
        %get3A_1067 = arith.index_cast %get3A_1066 : i32 to index
        %get3A_1068 = arith.index_cast %add3A_1065 : i32 to index
        %get3A_1069 = arith.constant 0 : index
        %get3A_1070 = tpu.vector_load %arg6[%get3A_1067, %get3A_1068, %get3A_1069] {strides = array<i32>} : memref<4x200x32xf32, #tpu.memory_space<vmem>>, vector<16xf32>,
        %add3A_1071 = arith.addf %add3A_1037, %get3A_1070 : vector<16xf32>
        %get3A_1072 = arith.constant 0 : i32
        %get3A_1073 = arith.index_cast %get3A_1072 : i32 to index
        %get3A_1074 = arith.index_cast %add3A_1065 : i32 to index
        %get3A_1075 = arith.constant 16 : index
        %get3A_1076 = tpu.vector_load %arg6[%get3A_1073, %get3A_1074, %get3A_1075] {strides = array<i32>} : memref<4x200x32xf32, #tpu.memory_space<vmem>>, vector<16xf32>,
        %add3A_1077 = arith.addf %add3A_1043, %get3A_1076 : vector<16xf32>
        %scan3A_1078 = arith.constant 7 : i32
        %scan3A_1079 = arith.addi %scan3A_837, %scan3A_1078 : i32
        %mul3A_1080 = arith.constant 2 : i32
        %mul3A_1081 = arith.muli %mul3A_1080, %scan3A_1079 : i32
        %add3A_1082 = arith.constant 0 : i32
        %add3A_1083 = arith.addi %mul3A_1081, %add3A_1082 : i32
        %get3A_1084 = arith.constant 0 : i32
        %get3A_1085 = arith.index_cast %get3A_1084 : i32 to index
        %get3A_1086 = arith.index_cast %add3A_1083 : i32 to index
        %get3A_1087 = arith.constant 0 : index
        %get3A_1088 = tpu.vector_load %arg6[%get3A_1085, %get3A_1086, %get3A_1087] {strides = array<i32>} : memref<4x200x32xf32, #tpu.memory_space<vmem>>, vector<16xf32>,
        %add3A_1089 = arith.addf %add3A_1055, %get3A_1088 : vector<16xf32>
        %get3A_1090 = arith.constant 0 : i32
        %get3A_1091 = arith.index_cast %get3A_1090 : i32 to index
        %get3A_1092 = arith.index_cast %add3A_1083 : i32 to index
        %get3A_1093 = arith.constant 16 : index
        %get3A_1094 = tpu.vector_load %arg6[%get3A_1091, %get3A_1092, %get3A_1093] {strides = array<i32>} : memref<4x200x32xf32, #tpu.memory_space<vmem>>, vector<16xf32>,
        %add3A_1095 = arith.addf %add3A_1061, %get3A_1094 : vector<16xf32>
        %mul3A_1096 = arith.constant 2 : i32
        %mul3A_1097 = arith.muli %mul3A_1096, %scan3A_1079 : i32
        %add3A_1098 = arith.constant 1 : i32
        %add3A_1099 = arith.addi %mul3A_1097, %add3A_1098 : i32
        %get3A_1100 = arith.constant 0 : i32
        %get3A_1101 = arith.index_cast %get3A_1100 : i32 to index
        %get3A_1102 = arith.index_cast %add3A_1099 : i32 to index
        %get3A_1103 = arith.constant 0 : index
        %get3A_1104 = tpu.vector_load %arg6[%get3A_1101, %get3A_1102, %get3A_1103] {strides = array<i32>} : memref<4x200x32xf32, #tpu.memory_space<vmem>>, vector<16xf32>,
        %add3A_1105 = arith.addf %add3A_1071, %get3A_1104 : vector<16xf32>
        %get3A_1106 = arith.constant 0 : i32
        %get3A_1107 = arith.index_cast %get3A_1106 : i32 to index
        %get3A_1108 = arith.index_cast %add3A_1099 : i32 to index
        %get3A_1109 = arith.constant 16 : index
        %get3A_1110 = tpu.vector_load %arg6[%get3A_1107, %get3A_1108, %get3A_1109] {strides = array<i32>} : memref<4x200x32xf32, #tpu.memory_space<vmem>>, vector<16xf32>,
        %add3A_1111 = arith.addf %add3A_1077, %get3A_1110 : vector<16xf32>
        scf.yield %add3A_1089, %add3A_1095, %add3A_1105, %add3A_1111 : vector<16xf32>, vector<16xf32>, vector<16xf32>, vector<16xf32>
      }
      %scan3A_135 = arith.constant 96 : i32
      %scan3A_136 = arith.addi %scan3A_130, %scan3A_135 : i32
      %mul3A_137 = arith.constant 2 : i32
      %mul3A_138 = arith.muli %mul3A_137, %scan3A_136 : i32
      %add3A_139 = arith.constant 0 : i32
      %add3A_140 = arith.addi %mul3A_138, %add3A_139 : i32
      %get3A = arith.constant 0 : i32
      %get3A_141 = arith.index_cast %get3A : i32 to index
      %get3A_142 = arith.index_cast %add3A_140 : i32 to index
      %get3A_143 = arith.constant 0 : index
      %get3A_144 = tpu.vector_load %arg6[%get3A_141, %get3A_142, %get3A_143] {strides = array<i32>} : memref<4x200x32xf32, #tpu.memory_space<vmem>>, vector<16xf32>,
      %add3A_145 = arith.addf %scan3A_134#0, %get3A_144 : vector<16xf32>
      %get3A_146 = arith.constant 0 : i32
      %get3A_147 = arith.index_cast %get3A_146 : i32 to index
      %get3A_148 = arith.index_cast %add3A_140 : i32 to index
      %get3A_149 = arith.constant 16 : index
      %get3A_150 = tpu.vector_load %arg6[%get3A_147, %get3A_148, %get3A_149] {strides = array<i32>} : memref<4x200x32xf32, #tpu.memory_space<vmem>>, vector<16xf32>,
      %add3A_151 = arith.addf %scan3A_134#1, %get3A_150 : vector<16xf32>
      %mul3A_152 = arith.constant 2 : i32
      %mul3A_153 = arith.muli %mul3A_152, %scan3A_136 : i32
      %add3A_154 = arith.constant 1 : i32
      %add3A_155 = arith.addi %mul3A_153, %add3A_154 : i32
      %get3A_156 = arith.constant 0 : i32
      %get3A_157 = arith.index_cast %get3A_156 : i32 to index
      %get3A_158 = arith.index_cast %add3A_155 : i32 to index
      %get3A_159 = arith.constant 0 : index
      %get3A_160 = tpu.vector_load %arg6[%get3A_157, %get3A_158, %get3A_159] {strides = array<i32>} : memref<4x200x32xf32, #tpu.memory_space<vmem>>, vector<16xf32>,
      %add3A_161 = arith.addf %scan3A_134#2, %get3A_160 : vector<16xf32>
      %get3A_162 = arith.constant 0 : i32
      %get3A_163 = arith.index_cast %get3A_162 : i32 to index
      %get3A_164 = arith.index_cast %add3A_155 : i32 to index
      %get3A_165 = arith.constant 16 : index
      %get3A_166 = tpu.vector_load %arg6[%get3A_163, %get3A_164, %get3A_165] {strides = array<i32>} : memref<4x200x32xf32, #tpu.memory_space<vmem>>, vector<16xf32>,
      %add3A_167 = arith.addf %scan3A_134#3, %get3A_166 : vector<16xf32>
      %scan3A_168 = arith.constant 97 : i32
      %scan3A_169 = arith.addi %scan3A_130, %scan3A_168 : i32
      %mul3A_170 = arith.constant 2 : i32
      %mul3A_171 = arith.muli %mul3A_170, %scan3A_169 : i32
      %add3A_172 = arith.constant 0 : i32
      %add3A_173 = arith.addi %mul3A_171, %add3A_172 : i32
      %get3A_174 = arith.constant 0 : i32
      %get3A_175 = arith.index_cast %get3A_174 : i32 to index
      %get3A_176 = arith.index_cast %add3A_173 : i32 to index
      %get3A_177 = arith.constant 0 : index
      %get3A_178 = tpu.vector_load %arg6[%get3A_175, %get3A_176, %get3A_177] {strides = array<i32>} : memref<4x200x32xf32, #tpu.memory_space<vmem>>, vector<16xf32>,
      %add3A_179 = arith.addf %add3A_145, %get3A_178 : vector<16xf32>
      %get3A_180 = arith.constant 0 : i32
      %get3A_181 = arith.index_cast %get3A_180 : i32 to index
      %get3A_182 = arith.index_cast %add3A_173 : i32 to index
      %get3A_183 = arith.constant 16 : index
      %get3A_184 = tpu.vector_load %arg6[%get3A_181, %get3A_182, %get3A_183] {strides = array<i32>} : memref<4x200x32xf32, #tpu.memory_space<vmem>>, vector<16xf32>,
      %add3A_185 = arith.addf %add3A_151, %get3A_184 : vector<16xf32>
      %mul3A_186 = arith.constant 2 : i32
      %mul3A_187 = arith.muli %mul3A_186, %scan3A_169 : i32
      %add3A_188 = arith.constant 1 : i32
      %add3A_189 = arith.addi %mul3A_187, %add3A_188 : i32
      %get3A_190 = arith.constant 0 : i32
      %get3A_191 = arith.index_cast %get3A_190 : i32 to index
      %get3A_192 = arith.index_cast %add3A_189 : i32 to index
      %get3A_193 = arith.constant 0 : index
      %get3A_194 = tpu.vector_load %arg6[%get3A_191, %get3A_192, %get3A_193] {strides = array<i32>} : memref<4x200x32xf32, #tpu.memory_space<vmem>>, vector<16xf32>,
      %add3A_195 = arith.addf %add3A_161, %get3A_194 : vector<16xf32>
      %get3A_196 = arith.constant 0 : i32
      %get3A_197 = arith.index_cast %get3A_196 : i32 to index
      %get3A_198 = arith.index_cast %add3A_189 : i32 to index
      %get3A_199 = arith.constant 16 : index
      %get3A_200 = tpu.vector_load %arg6[%get3A_197, %get3A_198, %get3A_199] {strides = array<i32>} : memref<4x200x32xf32, #tpu.memory_space<vmem>>, vector<16xf32>,
      %add3A_201 = arith.addf %add3A_167, %get3A_200 : vector<16xf32>
      %scan3A_202 = arith.constant 98 : i32
      %scan3A_203 = arith.addi %scan3A_130, %scan3A_202 : i32
      %mul3A_204 = arith.constant 2 : i32
      %mul3A_205 = arith.muli %mul3A_204, %scan3A_203 : i32
      %add3A_206 = arith.constant 0 : i32
      %add3A_207 = arith.addi %mul3A_205, %add3A_206 : i32
      %get3A_208 = arith.constant 0 : i32
      %get3A_209 = arith.index_cast %get3A_208 : i32 to index
      %get3A_210 = arith.index_cast %add3A_207 : i32 to index
      %get3A_211 = arith.constant 0 : index
      %get3A_212 = tpu.vector_load %arg6[%get3A_209, %get3A_210, %get3A_211] {strides = array<i32>} : memref<4x200x32xf32, #tpu.memory_space<vmem>>, vector<16xf32>,
      %add3A_213 = arith.addf %add3A_179, %get3A_212 : vector<16xf32>
      %get3A_214 = arith.constant 0 : i32
      %get3A_215 = arith.index_cast %get3A_214 : i32 to index
      %get3A_216 = arith.index_cast %add3A_207 : i32 to index
      %get3A_217 = arith.constant 16 : index
      %get3A_218 = tpu.vector_load %arg6[%get3A_215, %get3A_216, %get3A_217] {strides = array<i32>} : memref<4x200x32xf32, #tpu.memory_space<vmem>>, vector<16xf32>,
      %add3A_219 = arith.addf %add3A_185, %get3A_218 : vector<16xf32>
      %mul3A_220 = arith.constant 2 : i32
      %mul3A_221 = arith.muli %mul3A_220, %scan3A_203 : i32
      %add3A_222 = arith.constant 1 : i32
      %add3A_223 = arith.addi %mul3A_221, %add3A_222 : i32
      %get3A_224 = arith.constant 0 : i32
      %get3A_225 = arith.index_cast %get3A_224 : i32 to index
      %get3A_226 = arith.index_cast %add3A_223 : i32 to index
      %get3A_227 = arith.constant 0 : index
      %get3A_228 = tpu.vector_load %arg6[%get3A_225, %get3A_226, %get3A_227] {strides = array<i32>} : memref<4x200x32xf32, #tpu.memory_space<vmem>>, vector<16xf32>,
      %add3A_229 = arith.addf %add3A_195, %get3A_228 : vector<16xf32>
      %get3A_230 = arith.constant 0 : i32
      %get3A_231 = arith.index_cast %get3A_230 : i32 to index
      %get3A_232 = arith.index_cast %add3A_223 : i32 to index
      %get3A_233 = arith.constant 16 : index
      %get3A_234 = tpu.vector_load %arg6[%get3A_231, %get3A_232, %get3A_233] {strides = array<i32>} : memref<4x200x32xf32, #tpu.memory_space<vmem>>, vector<16xf32>,
      %add3A_235 = arith.addf %add3A_201, %get3A_234 : vector<16xf32>
      %scan3A_236 = arith.constant 99 : i32
      %scan3A_237 = arith.addi %scan3A_130, %scan3A_236 : i32
      %mul3A_238 = arith.constant 2 : i32
      %mul3A_239 = arith.muli %mul3A_238, %scan3A_237 : i32
      %add3A_240 = arith.constant 0 : i32
      %add3A_241 = arith.addi %mul3A_239, %add3A_240 : i32
      %get3A_242 = arith.constant 0 : i32
      %get3A_243 = arith.index_cast %get3A_242 : i32 to index
      %get3A_244 = arith.index_cast %add3A_241 : i32 to index
      %get3A_245 = arith.constant 0 : index
      %get3A_246 = tpu.vector_load %arg6[%get3A_243, %get3A_244, %get3A_245] {strides = array<i32>} : memref<4x200x32xf32, #tpu.memory_space<vmem>>, vector<16xf32>,
      %add3A_247 = arith.addf %add3A_213, %get3A_246 : vector<16xf32>
      %get3A_248 = arith.constant 0 : i32
      %get3A_249 = arith.index_cast %get3A_248 : i32 to index
      %get3A_250 = arith.index_cast %add3A_241 : i32 to index
      %get3A_251 = arith.constant 16 : index
      %get3A_252 = tpu.vector_load %arg6[%get3A_249, %get3A_250, %get3A_251] {strides = array<i32>} : memref<4x200x32xf32, #tpu.memory_space<vmem>>, vector<16xf32>,
      %add3A_253 = arith.addf %add3A_219, %get3A_252 : vector<16xf32>
      %mul3A_254 = arith.constant 2 : i32
      %mul3A_255 = arith.muli %mul3A_254, %scan3A_237 : i32
      %add3A_256 = arith.constant 1 : i32
      %add3A_257 = arith.addi %mul3A_255, %add3A_256 : i32
      %get3A_258 = arith.constant 0 : i32
      %get3A_259 = arith.index_cast %get3A_258 : i32 to index
      %get3A_260 = arith.index_cast %add3A_257 : i32 to index
      %get3A_261 = arith.constant 0 : index
      %get3A_262 = tpu.vector_load %arg6[%get3A_259, %get3A_260, %get3A_261] {strides = array<i32>} : memref<4x200x32xf32, #tpu.memory_space<vmem>>, vector<16xf32>,
      %add3A_263 = arith.addf %add3A_229, %get3A_262 : vector<16xf32>
      %get3A_264 = arith.constant 0 : i32
      %get3A_265 = arith.index_cast %get3A_264 : i32 to index
      %get3A_266 = arith.index_cast %add3A_257 : i32 to index
      %get3A_267 = arith.constant 16 : index
      %get3A_268 = tpu.vector_load %arg6[%get3A_265, %get3A_266, %get3A_267] {strides = array<i32>} : memref<4x200x32xf32, #tpu.memory_space<vmem>>, vector<16xf32>,
      %add3A_269 = arith.addf %add3A_235, %get3A_268 : vector<16xf32>
      %scan3A_270 = arith.constant 100 : i32
      %add3A_271 = arith.addf %add3A_247, %add3A_263 : vector<16xf32>
      %swap3A = arith.index_cast %add3A_107 : i32 to index
      %swap3A_272 = arith.constant 0 : index
      %swap3A_273 = tpu.vector_load %arg7[%swap3A, %swap3A_272] {strides = array<i32>} : memref<128x32xf32, #tpu.memory_space<vmem>>, vector<16xf32>,
      tpu.vector_store %arg7[%swap3A, %swap3A_272], %add3A_271 {strides = array<i32>} : memref<128x32xf32, #tpu.memory_space<vmem>>, vector<16xf32>,
      %add3A_274 = arith.addf %add3A_253, %add3A_269 : vector<16xf32>
      %swap3A_275 = arith.index_cast %add3A_107 : i32 to index
      %swap3A_276 = arith.constant 16 : index
      %swap3A_277 = tpu.vector_load %arg7[%swap3A_275, %swap3A_276] {strides = array<i32>} : memref<128x32xf32, #tpu.memory_space<vmem>>, vector<16xf32>,
      tpu.vector_store %arg7[%swap3A_275, %swap3A_276], %add3A_274 {strides = array<i32>} : memref<128x32xf32, #tpu.memory_space<vmem>>, vector<16xf32>,
      %add3A_278 = arith.constant 4 : i32
      %add3A_279 = arith.addi %add3A_107, %add3A_278 : i32
      %lt3A = arith.constant 128 : i32
      %lt3A_280 = arith.cmpi slt, %add3A_279, %lt3A : i32
      %convert_element_type3A = arith.extui %lt3A_280 : i1 to i32
      %cond3A = arith.constant 0 : i32
      %cond3A_281 = arith.cmpi ne, %convert_element_type3A, %cond3A : i32
      scf.if %cond3A_281 {
        %add3A_837 = arith.constant 4 : i32
        %add3A_838 = arith.addi %add3A_107, %add3A_837 : i32
        %dma_start3A_839 = arith.constant 0 : i32
        %dma_start3A_840 = arith.constant 0 : i32
        %dma_start3A_841 = arith.constant 0 : i32
        %dma_start3A_842 = tpu.memref_slice %arg6[%dma_start3A_839, %dma_start3A_840, %dma_start3A_841] : memref<4x200x32xf32, #tpu.memory_space<vmem>> -> memref<1x128x32xf32, #tpu.memory_space<vmem>>
        %dma_start3A_843 = tpu.memref_squeeze %dma_start3A_842 : memref<1x128x32xf32, #tpu.memory_space<vmem>> -> memref<128x32xf32, #tpu.memory_space<vmem>>
        %dma_start3A_844 = arith.constant 0 : i32
        %dma_start3A_845 = tpu.memref_slice %arg5[%add3A_838, %dma_start3A_844] : memref<128x200xi32, #tpu.memory_space<vmem>> -> memref<1x128xi32, #tpu.memory_space<vmem>>
        %dma_start3A_846 = tpu.memref_squeeze %dma_start3A_845 : memref<1x128xi32, #tpu.memory_space<vmem>> -> memref<128xi32, #tpu.memory_space<vmem>>
        %dma_start3A_847 = arith.constant 0 : i32
        %dma_start3A_848 = arith.constant 0 : i32
        %dma_start3A_849 = tpu.memref_slice %arg3[%dma_start3A_847, %dma_start3A_848] : memref<1000000x32xf32, #tpu.memory_space<hbm>> -> memref<1000000x32xf32, #tpu.memory_space<hbm>>
        tpu.enqueue_indirect_dma source(%dma_start3A_849 : memref<1000000x32xf32, #tpu.memory_space<hbm>>) target(%dma_start3A_843 : memref<128x32xf32, #tpu.memory_space<vmem>>) offsets(%dma_start3A_846 : memref<128xi32, #tpu.memory_space<vmem>>) semaphore(%arg8 : memref<!tpu.dma_semaphore, #tpu.memory_space<semaphore_mem>>)
        %dma_start3A_850 = arith.constant 0 : i32
        %dma_start3A_851 = arith.constant 128 : i32
        %dma_start3A_852 = arith.constant 0 : i32
        %dma_start3A_853 = tpu.memref_slice %arg6[%dma_start3A_850, %dma_start3A_851, %dma_start3A_852] : memref<4x200x32xf32, #tpu.memory_space<vmem>> -> memref<1x72x32xf32, #tpu.memory_space<vmem>>
        %dma_start3A_854 = tpu.memref_squeeze %dma_start3A_853 : memref<1x72x32xf32, #tpu.memory_space<vmem>> -> memref<72x32xf32, #tpu.memory_space<vmem>>
        %dma_start3A_855 = arith.constant 128 : i32
        %dma_start3A_856 = tpu.memref_slice %arg5[%add3A_838, %dma_start3A_855] : memref<128x200xi32, #tpu.memory_space<vmem>> -> memref<1x72xi32, #tpu.memory_space<vmem>>
        %dma_start3A_857 = tpu.memref_squeeze %dma_start3A_856 : memref<1x72xi32, #tpu.memory_space<vmem>> -> memref<72xi32, #tpu.memory_space<vmem>>
        %dma_start3A_858 = arith.constant 0 : i32
        %dma_start3A_859 = arith.constant 0 : i32
        %dma_start3A_860 = tpu.memref_slice %arg3[%dma_start3A_858, %dma_start3A_859] : memref<1000000x32xf32, #tpu.memory_space<hbm>> -> memref<1000000x32xf32, #tpu.memory_space<hbm>>
        tpu.enqueue_indirect_dma source(%dma_start3A_860 : memref<1000000x32xf32, #tpu.memory_space<hbm>>) target(%dma_start3A_854 : memref<72x32xf32, #tpu.memory_space<vmem>>) offsets(%dma_start3A_857 : memref<72xi32, #tpu.memory_space<vmem>>) semaphore(%arg8 : memref<!tpu.dma_semaphore, #tpu.memory_space<semaphore_mem>>)
      } else {
      }
      %mul3A_282 = arith.constant 4 : i32
      %mul3A_283 = arith.muli %mul3A_282, %scan3A_103 : i32
      %add3A_284 = arith.constant 1 : i32
      %add3A_285 = arith.addi %mul3A_283, %add3A_284 : i32
      %dma_wait3A_286 = arith.constant 1 : i32
      %dma_wait3A_287 = arith.constant 0 : i32
      %dma_wait3A_288 = arith.constant 0 : i32
      %dma_wait3A_289 = tpu.memref_slice %arg6[%dma_wait3A_286, %dma_wait3A_287, %dma_wait3A_288] : memref<4x200x32xf32, #tpu.memory_space<vmem>> -> memref<1x128x32xf32, #tpu.memory_space<vmem>>
      %dma_wait3A_290 = tpu.memref_squeeze %dma_wait3A_289 : memref<1x128x32xf32, #tpu.memory_space<vmem>> -> memref<128x32xf32, #tpu.memory_space<vmem>>
      %dma_wait3A_291 = arith.constant 0 : i32
      %dma_wait3A_292 = tpu.memref_slice %arg5[%add3A_285, %dma_wait3A_291] : memref<128x200xi32, #tpu.memory_space<vmem>> -> memref<1x128xi32, #tpu.memory_space<vmem>>
      %dma_wait3A_293 = tpu.memref_squeeze %dma_wait3A_292 : memref<1x128xi32, #tpu.memory_space<vmem>> -> memref<128xi32, #tpu.memory_space<vmem>>
      %dma_wait3A_294 = arith.constant 0 : i32
      %dma_wait3A_295 = arith.constant 0 : i32
      %dma_wait3A_296 = tpu.memref_slice %arg3[%dma_wait3A_294, %dma_wait3A_295] : memref<1000000x32xf32, #tpu.memory_space<hbm>> -> memref<1000000x32xf32, #tpu.memory_space<hbm>>
      tpu.wait_indirect_dma semaphore(%arg9 : memref<!tpu.dma_semaphore, #tpu.memory_space<semaphore_mem>>) src(%dma_wait3A_296 : memref<1000000x32xf32, #tpu.memory_space<hbm>>) dst(%dma_wait3A_290 : memref<128x32xf32, #tpu.memory_space<vmem>>)
      %dma_wait3A_297 = arith.constant 1 : i32
      %dma_wait3A_298 = arith.constant 128 : i32
      %dma_wait3A_299 = arith.constant 0 : i32
      %dma_wait3A_300 = tpu.memref_slice %arg6[%dma_wait3A_297, %dma_wait3A_298, %dma_wait3A_299] : memref<4x200x32xf32, #tpu.memory_space<vmem>> -> memref<1x72x32xf32, #tpu.memory_space<vmem>>
      %dma_wait3A_301 = tpu.memref_squeeze %dma_wait3A_300 : memref<1x72x32xf32, #tpu.memory_space<vmem>> -> memref<72x32xf32, #tpu.memory_space<vmem>>
      %dma_wait3A_302 = arith.constant 128 : i32
      %dma_wait3A_303 = tpu.memref_slice %arg5[%add3A_285, %dma_wait3A_302] : memref<128x200xi32, #tpu.memory_space<vmem>> -> memref<1x72xi32, #tpu.memory_space<vmem>>
      %dma_wait3A_304 = tpu.memref_squeeze %dma_wait3A_303 : memref<1x72xi32, #tpu.memory_space<vmem>> -> memref<72xi32, #tpu.memory_space<vmem>>
      %dma_wait3A_305 = arith.constant 0 : i32
      %dma_wait3A_306 = arith.constant 0 : i32
      %dma_wait3A_307 = tpu.memref_slice %arg3[%dma_wait3A_305, %dma_wait3A_306] : memref<1000000x32xf32, #tpu.memory_space<hbm>> -> memref<1000000x32xf32, #tpu.memory_space<hbm>>
      tpu.wait_indirect_dma semaphore(%arg9 : memref<!tpu.dma_semaphore, #tpu.memory_space<semaphore_mem>>) src(%dma_wait3A_307 : memref<1000000x32xf32, #tpu.memory_space<hbm>>) dst(%dma_wait3A_301 : memref<72x32xf32, #tpu.memory_space<vmem>>)
      %broadcast_in_dim3A_308 = arith.constant 0.000000e+00 : f32
      %broadcast_in_dim3A_309 = vector.broadcast %broadcast_in_dim3A_308 : f32 to vector<16xf32>
      %scan3A_310 = arith.constant 0 : i32
      %scan3A_311 = arith.constant 96 : i32
      %scan3A_312 = arith.addi %scan3A_310, %scan3A_311 : i32
      %scan3A_313 = arith.constant 8 : i32
      %scan3A_314:4 = scf.for %scan3A_837 = %scan3A_310 to %scan3A_312 step %scan3A_313 iter_args(%scan3A_838 = %broadcast_in_dim3A_309, %scan3A_839 = %broadcast_in_dim3A_309, %scan3A_840 = %broadcast_in_dim3A_309, %scan3A_841 = %broadcast_in_dim3A_309) -> (vector<16xf32>, vector<16xf32>, vector<16xf32>, vector<16xf32>)  : i32 {
        %mul3A_842 = arith.constant 2 : i32
        %mul3A_843 = arith.muli %mul3A_842, %scan3A_837 : i32
        %add3A_844 = arith.constant 0 : i32
        %add3A_845 = arith.addi %mul3A_843, %add3A_844 : i32
        %get3A_846 = arith.constant 1 : i32
        %get3A_847 = arith.index_cast %get3A_846 : i32 to index
        %get3A_848 = arith.index_cast %add3A_845 : i32 to index
        %get3A_849 = arith.constant 0 : index
        %get3A_850 = tpu.vector_load %arg6[%get3A_847, %get3A_848, %get3A_849] {strides = array<i32>} : memref<4x200x32xf32, #tpu.memory_space<vmem>>, vector<16xf32>,
        %add3A_851 = arith.addf %scan3A_838, %get3A_850 : vector<16xf32>
        %get3A_852 = arith.constant 1 : i32
        %get3A_853 = arith.index_cast %get3A_852 : i32 to index
        %get3A_854 = arith.index_cast %add3A_845 : i32 to index
        %get3A_855 = arith.constant 16 : index
        %get3A_856 = tpu.vector_load %arg6[%get3A_853, %get3A_854, %get3A_855] {strides = array<i32>} : memref<4x200x32xf32, #tpu.memory_space<vmem>>, vector<16xf32>,
        %add3A_857 = arith.addf %scan3A_839, %get3A_856 : vector<16xf32>
        %mul3A_858 = arith.constant 2 : i32
        %mul3A_859 = arith.muli %mul3A_858, %scan3A_837 : i32
        %add3A_860 = arith.constant 1 : i32
        %add3A_861 = arith.addi %mul3A_859, %add3A_860 : i32
        %get3A_862 = arith.constant 1 : i32
        %get3A_863 = arith.index_cast %get3A_862 : i32 to index
        %get3A_864 = arith.index_cast %add3A_861 : i32 to index
        %get3A_865 = arith.constant 0 : index
        %get3A_866 = tpu.vector_load %arg6[%get3A_863, %get3A_864, %get3A_865] {strides = array<i32>} : memref<4x200x32xf32, #tpu.memory_space<vmem>>, vector<16xf32>,
        %add3A_867 = arith.addf %scan3A_840, %get3A_866 : vector<16xf32>
        %get3A_868 = arith.constant 1 : i32
        %get3A_869 = arith.index_cast %get3A_868 : i32 to index
        %get3A_870 = arith.index_cast %add3A_861 : i32 to index
        %get3A_871 = arith.constant 16 : index
        %get3A_872 = tpu.vector_load %arg6[%get3A_869, %get3A_870, %get3A_871] {strides = array<i32>} : memref<4x200x32xf32, #tpu.memory_space<vmem>>, vector<16xf32>,
        %add3A_873 = arith.addf %scan3A_841, %get3A_872 : vector<16xf32>
        %scan3A_874 = arith.constant 1 : i32
        %scan3A_875 = arith.addi %scan3A_837, %scan3A_874 : i32
        %mul3A_876 = arith.constant 2 : i32
        %mul3A_877 = arith.muli %mul3A_876, %scan3A_875 : i32
        %add3A_878 = arith.constant 0 : i32
        %add3A_879 = arith.addi %mul3A_877, %add3A_878 : i32
        %get3A_880 = arith.constant 1 : i32
        %get3A_881 = arith.index_cast %get3A_880 : i32 to index
        %get3A_882 = arith.index_cast %add3A_879 : i32 to index
        %get3A_883 = arith.constant 0 : index
        %get3A_884 = tpu.vector_load %arg6[%get3A_881, %get3A_882, %get3A_883] {strides = array<i32>} : memref<4x200x32xf32, #tpu.memory_space<vmem>>, vector<16xf32>,
        %add3A_885 = arith.addf %add3A_851, %get3A_884 : vector<16xf32>
        %get3A_886 = arith.constant 1 : i32
        %get3A_887 = arith.index_cast %get3A_886 : i32 to index
        %get3A_888 = arith.index_cast %add3A_879 : i32 to index
        %get3A_889 = arith.constant 16 : index
        %get3A_890 = tpu.vector_load %arg6[%get3A_887, %get3A_888, %get3A_889] {strides = array<i32>} : memref<4x200x32xf32, #tpu.memory_space<vmem>>, vector<16xf32>,
        %add3A_891 = arith.addf %add3A_857, %get3A_890 : vector<16xf32>
        %mul3A_892 = arith.constant 2 : i32
        %mul3A_893 = arith.muli %mul3A_892, %scan3A_875 : i32
        %add3A_894 = arith.constant 1 : i32
        %add3A_895 = arith.addi %mul3A_893, %add3A_894 : i32
        %get3A_896 = arith.constant 1 : i32
        %get3A_897 = arith.index_cast %get3A_896 : i32 to index
        %get3A_898 = arith.index_cast %add3A_895 : i32 to index
        %get3A_899 = arith.constant 0 : index
        %get3A_900 = tpu.vector_load %arg6[%get3A_897, %get3A_898, %get3A_899] {strides = array<i32>} : memref<4x200x32xf32, #tpu.memory_space<vmem>>, vector<16xf32>,
        %add3A_901 = arith.addf %add3A_867, %get3A_900 : vector<16xf32>
        %get3A_902 = arith.constant 1 : i32
        %get3A_903 = arith.index_cast %get3A_902 : i32 to index
        %get3A_904 = arith.index_cast %add3A_895 : i32 to index
        %get3A_905 = arith.constant 16 : index
        %get3A_906 = tpu.vector_load %arg6[%get3A_903, %get3A_904, %get3A_905] {strides = array<i32>} : memref<4x200x32xf32, #tpu.memory_space<vmem>>, vector<16xf32>,
        %add3A_907 = arith.addf %add3A_873, %get3A_906 : vector<16xf32>
        %scan3A_908 = arith.constant 2 : i32
        %scan3A_909 = arith.addi %scan3A_837, %scan3A_908 : i32
        %mul3A_910 = arith.constant 2 : i32
        %mul3A_911 = arith.muli %mul3A_910, %scan3A_909 : i32
        %add3A_912 = arith.constant 0 : i32
        %add3A_913 = arith.addi %mul3A_911, %add3A_912 : i32
        %get3A_914 = arith.constant 1 : i32
        %get3A_915 = arith.index_cast %get3A_914 : i32 to index
        %get3A_916 = arith.index_cast %add3A_913 : i32 to index
        %get3A_917 = arith.constant 0 : index
        %get3A_918 = tpu.vector_load %arg6[%get3A_915, %get3A_916, %get3A_917] {strides = array<i32>} : memref<4x200x32xf32, #tpu.memory_space<vmem>>, vector<16xf32>,
        %add3A_919 = arith.addf %add3A_885, %get3A_918 : vector<16xf32>
        %get3A_920 = arith.constant 1 : i32
        %get3A_921 = arith.index_cast %get3A_920 : i32 to index
        %get3A_922 = arith.index_cast %add3A_913 : i32 to index
        %get3A_923 = arith.constant 16 : index
        %get3A_924 = tpu.vector_load %arg6[%get3A_921, %get3A_922, %get3A_923] {strides = array<i32>} : memref<4x200x32xf32, #tpu.memory_space<vmem>>, vector<16xf32>,
        %add3A_925 = arith.addf %add3A_891, %get3A_924 : vector<16xf32>
        %mul3A_926 = arith.constant 2 : i32
        %mul3A_927 = arith.muli %mul3A_926, %scan3A_909 : i32
        %add3A_928 = arith.constant 1 : i32
        %add3A_929 = arith.addi %mul3A_927, %add3A_928 : i32
        %get3A_930 = arith.constant 1 : i32
        %get3A_931 = arith.index_cast %get3A_930 : i32 to index
        %get3A_932 = arith.index_cast %add3A_929 : i32 to index
        %get3A_933 = arith.constant 0 : index
        %get3A_934 = tpu.vector_load %arg6[%get3A_931, %get3A_932, %get3A_933] {strides = array<i32>} : memref<4x200x32xf32, #tpu.memory_space<vmem>>, vector<16xf32>,
        %add3A_935 = arith.addf %add3A_901, %get3A_934 : vector<16xf32>
        %get3A_936 = arith.constant 1 : i32
        %get3A_937 = arith.index_cast %get3A_936 : i32 to index
        %get3A_938 = arith.index_cast %add3A_929 : i32 to index
        %get3A_939 = arith.constant 16 : index
        %get3A_940 = tpu.vector_load %arg6[%get3A_937, %get3A_938, %get3A_939] {strides = array<i32>} : memref<4x200x32xf32, #tpu.memory_space<vmem>>, vector<16xf32>,
        %add3A_941 = arith.addf %add3A_907, %get3A_940 : vector<16xf32>
        %scan3A_942 = arith.constant 3 : i32
        %scan3A_943 = arith.addi %scan3A_837, %scan3A_942 : i32
        %mul3A_944 = arith.constant 2 : i32
        %mul3A_945 = arith.muli %mul3A_944, %scan3A_943 : i32
        %add3A_946 = arith.constant 0 : i32
        %add3A_947 = arith.addi %mul3A_945, %add3A_946 : i32
        %get3A_948 = arith.constant 1 : i32
        %get3A_949 = arith.index_cast %get3A_948 : i32 to index
        %get3A_950 = arith.index_cast %add3A_947 : i32 to index
        %get3A_951 = arith.constant 0 : index
        %get3A_952 = tpu.vector_load %arg6[%get3A_949, %get3A_950, %get3A_951] {strides = array<i32>} : memref<4x200x32xf32, #tpu.memory_space<vmem>>, vector<16xf32>,
        %add3A_953 = arith.addf %add3A_919, %get3A_952 : vector<16xf32>
        %get3A_954 = arith.constant 1 : i32
        %get3A_955 = arith.index_cast %get3A_954 : i32 to index
        %get3A_956 = arith.index_cast %add3A_947 : i32 to index
        %get3A_957 = arith.constant 16 : index
        %get3A_958 = tpu.vector_load %arg6[%get3A_955, %get3A_956, %get3A_957] {strides = array<i32>} : memref<4x200x32xf32, #tpu.memory_space<vmem>>, vector<16xf32>,
        %add3A_959 = arith.addf %add3A_925, %get3A_958 : vector<16xf32>
        %mul3A_960 = arith.constant 2 : i32
        %mul3A_961 = arith.muli %mul3A_960, %scan3A_943 : i32
        %add3A_962 = arith.constant 1 : i32
        %add3A_963 = arith.addi %mul3A_961, %add3A_962 : i32
        %get3A_964 = arith.constant 1 : i32
        %get3A_965 = arith.index_cast %get3A_964 : i32 to index
        %get3A_966 = arith.index_cast %add3A_963 : i32 to index
        %get3A_967 = arith.constant 0 : index
        %get3A_968 = tpu.vector_load %arg6[%get3A_965, %get3A_966, %get3A_967] {strides = array<i32>} : memref<4x200x32xf32, #tpu.memory_space<vmem>>, vector<16xf32>,
        %add3A_969 = arith.addf %add3A_935, %get3A_968 : vector<16xf32>
        %get3A_970 = arith.constant 1 : i32
        %get3A_971 = arith.index_cast %get3A_970 : i32 to index
        %get3A_972 = arith.index_cast %add3A_963 : i32 to index
        %get3A_973 = arith.constant 16 : index
        %get3A_974 = tpu.vector_load %arg6[%get3A_971, %get3A_972, %get3A_973] {strides = array<i32>} : memref<4x200x32xf32, #tpu.memory_space<vmem>>, vector<16xf32>,
        %add3A_975 = arith.addf %add3A_941, %get3A_974 : vector<16xf32>
        %scan3A_976 = arith.constant 4 : i32
        %scan3A_977 = arith.addi %scan3A_837, %scan3A_976 : i32
        %mul3A_978 = arith.constant 2 : i32
        %mul3A_979 = arith.muli %mul3A_978, %scan3A_977 : i32
        %add3A_980 = arith.constant 0 : i32
        %add3A_981 = arith.addi %mul3A_979, %add3A_980 : i32
        %get3A_982 = arith.constant 1 : i32
        %get3A_983 = arith.index_cast %get3A_982 : i32 to index
        %get3A_984 = arith.index_cast %add3A_981 : i32 to index
        %get3A_985 = arith.constant 0 : index
        %get3A_986 = tpu.vector_load %arg6[%get3A_983, %get3A_984, %get3A_985] {strides = array<i32>} : memref<4x200x32xf32, #tpu.memory_space<vmem>>, vector<16xf32>,
        %add3A_987 = arith.addf %add3A_953, %get3A_986 : vector<16xf32>
        %get3A_988 = arith.constant 1 : i32
        %get3A_989 = arith.index_cast %get3A_988 : i32 to index
        %get3A_990 = arith.index_cast %add3A_981 : i32 to index
        %get3A_991 = arith.constant 16 : index
        %get3A_992 = tpu.vector_load %arg6[%get3A_989, %get3A_990, %get3A_991] {strides = array<i32>} : memref<4x200x32xf32, #tpu.memory_space<vmem>>, vector<16xf32>,
        %add3A_993 = arith.addf %add3A_959, %get3A_992 : vector<16xf32>
        %mul3A_994 = arith.constant 2 : i32
        %mul3A_995 = arith.muli %mul3A_994, %scan3A_977 : i32
        %add3A_996 = arith.constant 1 : i32
        %add3A_997 = arith.addi %mul3A_995, %add3A_996 : i32
        %get3A_998 = arith.constant 1 : i32
        %get3A_999 = arith.index_cast %get3A_998 : i32 to index
        %get3A_1000 = arith.index_cast %add3A_997 : i32 to index
        %get3A_1001 = arith.constant 0 : index
        %get3A_1002 = tpu.vector_load %arg6[%get3A_999, %get3A_1000, %get3A_1001] {strides = array<i32>} : memref<4x200x32xf32, #tpu.memory_space<vmem>>, vector<16xf32>,
        %add3A_1003 = arith.addf %add3A_969, %get3A_1002 : vector<16xf32>
        %get3A_1004 = arith.constant 1 : i32
        %get3A_1005 = arith.index_cast %get3A_1004 : i32 to index
        %get3A_1006 = arith.index_cast %add3A_997 : i32 to index
        %get3A_1007 = arith.constant 16 : index
        %get3A_1008 = tpu.vector_load %arg6[%get3A_1005, %get3A_1006, %get3A_1007] {strides = array<i32>} : memref<4x200x32xf32, #tpu.memory_space<vmem>>, vector<16xf32>,
        %add3A_1009 = arith.addf %add3A_975, %get3A_1008 : vector<16xf32>
        %scan3A_1010 = arith.constant 5 : i32
        %scan3A_1011 = arith.addi %scan3A_837, %scan3A_1010 : i32
        %mul3A_1012 = arith.constant 2 : i32
        %mul3A_1013 = arith.muli %mul3A_1012, %scan3A_1011 : i32
        %add3A_1014 = arith.constant 0 : i32
        %add3A_1015 = arith.addi %mul3A_1013, %add3A_1014 : i32
        %get3A_1016 = arith.constant 1 : i32
        %get3A_1017 = arith.index_cast %get3A_1016 : i32 to index
        %get3A_1018 = arith.index_cast %add3A_1015 : i32 to index
        %get3A_1019 = arith.constant 0 : index
        %get3A_1020 = tpu.vector_load %arg6[%get3A_1017, %get3A_1018, %get3A_1019] {strides = array<i32>} : memref<4x200x32xf32, #tpu.memory_space<vmem>>, vector<16xf32>,
        %add3A_1021 = arith.addf %add3A_987, %get3A_1020 : vector<16xf32>
        %get3A_1022 = arith.constant 1 : i32
        %get3A_1023 = arith.index_cast %get3A_1022 : i32 to index
        %get3A_1024 = arith.index_cast %add3A_1015 : i32 to index
        %get3A_1025 = arith.constant 16 : index
        %get3A_1026 = tpu.vector_load %arg6[%get3A_1023, %get3A_1024, %get3A_1025] {strides = array<i32>} : memref<4x200x32xf32, #tpu.memory_space<vmem>>, vector<16xf32>,
        %add3A_1027 = arith.addf %add3A_993, %get3A_1026 : vector<16xf32>
        %mul3A_1028 = arith.constant 2 : i32
        %mul3A_1029 = arith.muli %mul3A_1028, %scan3A_1011 : i32
        %add3A_1030 = arith.constant 1 : i32
        %add3A_1031 = arith.addi %mul3A_1029, %add3A_1030 : i32
        %get3A_1032 = arith.constant 1 : i32
        %get3A_1033 = arith.index_cast %get3A_1032 : i32 to index
        %get3A_1034 = arith.index_cast %add3A_1031 : i32 to index
        %get3A_1035 = arith.constant 0 : index
        %get3A_1036 = tpu.vector_load %arg6[%get3A_1033, %get3A_1034, %get3A_1035] {strides = array<i32>} : memref<4x200x32xf32, #tpu.memory_space<vmem>>, vector<16xf32>,
        %add3A_1037 = arith.addf %add3A_1003, %get3A_1036 : vector<16xf32>
        %get3A_1038 = arith.constant 1 : i32
        %get3A_1039 = arith.index_cast %get3A_1038 : i32 to index
        %get3A_1040 = arith.index_cast %add3A_1031 : i32 to index
        %get3A_1041 = arith.constant 16 : index
        %get3A_1042 = tpu.vector_load %arg6[%get3A_1039, %get3A_1040, %get3A_1041] {strides = array<i32>} : memref<4x200x32xf32, #tpu.memory_space<vmem>>, vector<16xf32>,
        %add3A_1043 = arith.addf %add3A_1009, %get3A_1042 : vector<16xf32>
        %scan3A_1044 = arith.constant 6 : i32
        %scan3A_1045 = arith.addi %scan3A_837, %scan3A_1044 : i32
        %mul3A_1046 = arith.constant 2 : i32
        %mul3A_1047 = arith.muli %mul3A_1046, %scan3A_1045 : i32
        %add3A_1048 = arith.constant 0 : i32
        %add3A_1049 = arith.addi %mul3A_1047, %add3A_1048 : i32
        %get3A_1050 = arith.constant 1 : i32
        %get3A_1051 = arith.index_cast %get3A_1050 : i32 to index
        %get3A_1052 = arith.index_cast %add3A_1049 : i32 to index
        %get3A_1053 = arith.constant 0 : index
        %get3A_1054 = tpu.vector_load %arg6[%get3A_1051, %get3A_1052, %get3A_1053] {strides = array<i32>} : memref<4x200x32xf32, #tpu.memory_space<vmem>>, vector<16xf32>,
        %add3A_1055 = arith.addf %add3A_1021, %get3A_1054 : vector<16xf32>
        %get3A_1056 = arith.constant 1 : i32
        %get3A_1057 = arith.index_cast %get3A_1056 : i32 to index
        %get3A_1058 = arith.index_cast %add3A_1049 : i32 to index
        %get3A_1059 = arith.constant 16 : index
        %get3A_1060 = tpu.vector_load %arg6[%get3A_1057, %get3A_1058, %get3A_1059] {strides = array<i32>} : memref<4x200x32xf32, #tpu.memory_space<vmem>>, vector<16xf32>,
        %add3A_1061 = arith.addf %add3A_1027, %get3A_1060 : vector<16xf32>
        %mul3A_1062 = arith.constant 2 : i32
        %mul3A_1063 = arith.muli %mul3A_1062, %scan3A_1045 : i32
        %add3A_1064 = arith.constant 1 : i32
        %add3A_1065 = arith.addi %mul3A_1063, %add3A_1064 : i32
        %get3A_1066 = arith.constant 1 : i32
        %get3A_1067 = arith.index_cast %get3A_1066 : i32 to index
        %get3A_1068 = arith.index_cast %add3A_1065 : i32 to index
        %get3A_1069 = arith.constant 0 : index
        %get3A_1070 = tpu.vector_load %arg6[%get3A_1067, %get3A_1068, %get3A_1069] {strides = array<i32>} : memref<4x200x32xf32, #tpu.memory_space<vmem>>, vector<16xf32>,
        %add3A_1071 = arith.addf %add3A_1037, %get3A_1070 : vector<16xf32>
        %get3A_1072 = arith.constant 1 : i32
        %get3A_1073 = arith.index_cast %get3A_1072 : i32 to index
        %get3A_1074 = arith.index_cast %add3A_1065 : i32 to index
        %get3A_1075 = arith.constant 16 : index
        %get3A_1076 = tpu.vector_load %arg6[%get3A_1073, %get3A_1074, %get3A_1075] {strides = array<i32>} : memref<4x200x32xf32, #tpu.memory_space<vmem>>, vector<16xf32>,
        %add3A_1077 = arith.addf %add3A_1043, %get3A_1076 : vector<16xf32>
        %scan3A_1078 = arith.constant 7 : i32
        %scan3A_1079 = arith.addi %scan3A_837, %scan3A_1078 : i32
        %mul3A_1080 = arith.constant 2 : i32
        %mul3A_1081 = arith.muli %mul3A_1080, %scan3A_1079 : i32
        %add3A_1082 = arith.constant 0 : i32
        %add3A_1083 = arith.addi %mul3A_1081, %add3A_1082 : i32
        %get3A_1084 = arith.constant 1 : i32
        %get3A_1085 = arith.index_cast %get3A_1084 : i32 to index
        %get3A_1086 = arith.index_cast %add3A_1083 : i32 to index
        %get3A_1087 = arith.constant 0 : index
        %get3A_1088 = tpu.vector_load %arg6[%get3A_1085, %get3A_1086, %get3A_1087] {strides = array<i32>} : memref<4x200x32xf32, #tpu.memory_space<vmem>>, vector<16xf32>,
        %add3A_1089 = arith.addf %add3A_1055, %get3A_1088 : vector<16xf32>
        %get3A_1090 = arith.constant 1 : i32
        %get3A_1091 = arith.index_cast %get3A_1090 : i32 to index
        %get3A_1092 = arith.index_cast %add3A_1083 : i32 to index
        %get3A_1093 = arith.constant 16 : index
        %get3A_1094 = tpu.vector_load %arg6[%get3A_1091, %get3A_1092, %get3A_1093] {strides = array<i32>} : memref<4x200x32xf32, #tpu.memory_space<vmem>>, vector<16xf32>,
        %add3A_1095 = arith.addf %add3A_1061, %get3A_1094 : vector<16xf32>
        %mul3A_1096 = arith.constant 2 : i32
        %mul3A_1097 = arith.muli %mul3A_1096, %scan3A_1079 : i32
        %add3A_1098 = arith.constant 1 : i32
        %add3A_1099 = arith.addi %mul3A_1097, %add3A_1098 : i32
        %get3A_1100 = arith.constant 1 : i32
        %get3A_1101 = arith.index_cast %get3A_1100 : i32 to index
        %get3A_1102 = arith.index_cast %add3A_1099 : i32 to index
        %get3A_1103 = arith.constant 0 : index
        %get3A_1104 = tpu.vector_load %arg6[%get3A_1101, %get3A_1102, %get3A_1103] {strides = array<i32>} : memref<4x200x32xf32, #tpu.memory_space<vmem>>, vector<16xf32>,
        %add3A_1105 = arith.addf %add3A_1071, %get3A_1104 : vector<16xf32>
        %get3A_1106 = arith.constant 1 : i32
        %get3A_1107 = arith.index_cast %get3A_1106 : i32 to index
        %get3A_1108 = arith.index_cast %add3A_1099 : i32 to index
        %get3A_1109 = arith.constant 16 : index
        %get3A_1110 = tpu.vector_load %arg6[%get3A_1107, %get3A_1108, %get3A_1109] {strides = array<i32>} : memref<4x200x32xf32, #tpu.memory_space<vmem>>, vector<16xf32>,
        %add3A_1111 = arith.addf %add3A_1077, %get3A_1110 : vector<16xf32>
        scf.yield %add3A_1089, %add3A_1095, %add3A_1105, %add3A_1111 : vector<16xf32>, vector<16xf32>, vector<16xf32>, vector<16xf32>
      }
      %scan3A_315 = arith.constant 96 : i32
      %scan3A_316 = arith.addi %scan3A_310, %scan3A_315 : i32
      %mul3A_317 = arith.constant 2 : i32
      %mul3A_318 = arith.muli %mul3A_317, %scan3A_316 : i32
      %add3A_319 = arith.constant 0 : i32
      %add3A_320 = arith.addi %mul3A_318, %add3A_319 : i32
      %get3A_321 = arith.constant 1 : i32
      %get3A_322 = arith.index_cast %get3A_321 : i32 to index
      %get3A_323 = arith.index_cast %add3A_320 : i32 to index
      %get3A_324 = arith.constant 0 : index
      %get3A_325 = tpu.vector_load %arg6[%get3A_322, %get3A_323, %get3A_324] {strides = array<i32>} : memref<4x200x32xf32, #tpu.memory_space<vmem>>, vector<16xf32>,
      %add3A_326 = arith.addf %scan3A_314#0, %get3A_325 : vector<16xf32>
      %get3A_327 = arith.constant 1 : i32
      %get3A_328 = arith.index_cast %get3A_327 : i32 to index
      %get3A_329 = arith.index_cast %add3A_320 : i32 to index
      %get3A_330 = arith.constant 16 : index
      %get3A_331 = tpu.vector_load %arg6[%get3A_328, %get3A_329, %get3A_330] {strides = array<i32>} : memref<4x200x32xf32, #tpu.memory_space<vmem>>, vector<16xf32>,
      %add3A_332 = arith.addf %scan3A_314#1, %get3A_331 : vector<16xf32>
      %mul3A_333 = arith.constant 2 : i32
      %mul3A_334 = arith.muli %mul3A_333, %scan3A_316 : i32
      %add3A_335 = arith.constant 1 : i32
      %add3A_336 = arith.addi %mul3A_334, %add3A_335 : i32
      %get3A_337 = arith.constant 1 : i32
      %get3A_338 = arith.index_cast %get3A_337 : i32 to index
      %get3A_339 = arith.index_cast %add3A_336 : i32 to index
      %get3A_340 = arith.constant 0 : index
      %get3A_341 = tpu.vector_load %arg6[%get3A_338, %get3A_339, %get3A_340] {strides = array<i32>} : memref<4x200x32xf32, #tpu.memory_space<vmem>>, vector<16xf32>,
      %add3A_342 = arith.addf %scan3A_314#2, %get3A_341 : vector<16xf32>
      %get3A_343 = arith.constant 1 : i32
      %get3A_344 = arith.index_cast %get3A_343 : i32 to index
      %get3A_345 = arith.index_cast %add3A_336 : i32 to index
      %get3A_346 = arith.constant 16 : index
      %get3A_347 = tpu.vector_load %arg6[%get3A_344, %get3A_345, %get3A_346] {strides = array<i32>} : memref<4x200x32xf32, #tpu.memory_space<vmem>>, vector<16xf32>,
      %add3A_348 = arith.addf %scan3A_314#3, %get3A_347 : vector<16xf32>
      %scan3A_349 = arith.constant 97 : i32
      %scan3A_350 = arith.addi %scan3A_310, %scan3A_349 : i32
      %mul3A_351 = arith.constant 2 : i32
      %mul3A_352 = arith.muli %mul3A_351, %scan3A_350 : i32
      %add3A_353 = arith.constant 0 : i32
      %add3A_354 = arith.addi %mul3A_352, %add3A_353 : i32
      %get3A_355 = arith.constant 1 : i32
      %get3A_356 = arith.index_cast %get3A_355 : i32 to index
      %get3A_357 = arith.index_cast %add3A_354 : i32 to index
      %get3A_358 = arith.constant 0 : index
      %get3A_359 = tpu.vector_load %arg6[%get3A_356, %get3A_357, %get3A_358] {strides = array<i32>} : memref<4x200x32xf32, #tpu.memory_space<vmem>>, vector<16xf32>,
      %add3A_360 = arith.addf %add3A_326, %get3A_359 : vector<16xf32>
      %get3A_361 = arith.constant 1 : i32
      %get3A_362 = arith.index_cast %get3A_361 : i32 to index
      %get3A_363 = arith.index_cast %add3A_354 : i32 to index
      %get3A_364 = arith.constant 16 : index
      %get3A_365 = tpu.vector_load %arg6[%get3A_362, %get3A_363, %get3A_364] {strides = array<i32>} : memref<4x200x32xf32, #tpu.memory_space<vmem>>, vector<16xf32>,
      %add3A_366 = arith.addf %add3A_332, %get3A_365 : vector<16xf32>
      %mul3A_367 = arith.constant 2 : i32
      %mul3A_368 = arith.muli %mul3A_367, %scan3A_350 : i32
      %add3A_369 = arith.constant 1 : i32
      %add3A_370 = arith.addi %mul3A_368, %add3A_369 : i32
      %get3A_371 = arith.constant 1 : i32
      %get3A_372 = arith.index_cast %get3A_371 : i32 to index
      %get3A_373 = arith.index_cast %add3A_370 : i32 to index
      %get3A_374 = arith.constant 0 : index
      %get3A_375 = tpu.vector_load %arg6[%get3A_372, %get3A_373, %get3A_374] {strides = array<i32>} : memref<4x200x32xf32, #tpu.memory_space<vmem>>, vector<16xf32>,
      %add3A_376 = arith.addf %add3A_342, %get3A_375 : vector<16xf32>
      %get3A_377 = arith.constant 1 : i32
      %get3A_378 = arith.index_cast %get3A_377 : i32 to index
      %get3A_379 = arith.index_cast %add3A_370 : i32 to index
      %get3A_380 = arith.constant 16 : index
      %get3A_381 = tpu.vector_load %arg6[%get3A_378, %get3A_379, %get3A_380] {strides = array<i32>} : memref<4x200x32xf32, #tpu.memory_space<vmem>>, vector<16xf32>,
      %add3A_382 = arith.addf %add3A_348, %get3A_381 : vector<16xf32>
      %scan3A_383 = arith.constant 98 : i32
      %scan3A_384 = arith.addi %scan3A_310, %scan3A_383 : i32
      %mul3A_385 = arith.constant 2 : i32
      %mul3A_386 = arith.muli %mul3A_385, %scan3A_384 : i32
      %add3A_387 = arith.constant 0 : i32
      %add3A_388 = arith.addi %mul3A_386, %add3A_387 : i32
      %get3A_389 = arith.constant 1 : i32
      %get3A_390 = arith.index_cast %get3A_389 : i32 to index
      %get3A_391 = arith.index_cast %add3A_388 : i32 to index
      %get3A_392 = arith.constant 0 : index
      %get3A_393 = tpu.vector_load %arg6[%get3A_390, %get3A_391, %get3A_392] {strides = array<i32>} : memref<4x200x32xf32, #tpu.memory_space<vmem>>, vector<16xf32>,
      %add3A_394 = arith.addf %add3A_360, %get3A_393 : vector<16xf32>
      %get3A_395 = arith.constant 1 : i32
      %get3A_396 = arith.index_cast %get3A_395 : i32 to index
      %get3A_397 = arith.index_cast %add3A_388 : i32 to index
      %get3A_398 = arith.constant 16 : index
      %get3A_399 = tpu.vector_load %arg6[%get3A_396, %get3A_397, %get3A_398] {strides = array<i32>} : memref<4x200x32xf32, #tpu.memory_space<vmem>>, vector<16xf32>,
      %add3A_400 = arith.addf %add3A_366, %get3A_399 : vector<16xf32>
      %mul3A_401 = arith.constant 2 : i32
      %mul3A_402 = arith.muli %mul3A_401, %scan3A_384 : i32
      %add3A_403 = arith.constant 1 : i32
      %add3A_404 = arith.addi %mul3A_402, %add3A_403 : i32
      %get3A_405 = arith.constant 1 : i32
      %get3A_406 = arith.index_cast %get3A_405 : i32 to index
      %get3A_407 = arith.index_cast %add3A_404 : i32 to index
      %get3A_408 = arith.constant 0 : index
      %get3A_409 = tpu.vector_load %arg6[%get3A_406, %get3A_407, %get3A_408] {strides = array<i32>} : memref<4x200x32xf32, #tpu.memory_space<vmem>>, vector<16xf32>,
      %add3A_410 = arith.addf %add3A_376, %get3A_409 : vector<16xf32>
      %get3A_411 = arith.constant 1 : i32
      %get3A_412 = arith.index_cast %get3A_411 : i32 to index
      %get3A_413 = arith.index_cast %add3A_404 : i32 to index
      %get3A_414 = arith.constant 16 : index
      %get3A_415 = tpu.vector_load %arg6[%get3A_412, %get3A_413, %get3A_414] {strides = array<i32>} : memref<4x200x32xf32, #tpu.memory_space<vmem>>, vector<16xf32>,
      %add3A_416 = arith.addf %add3A_382, %get3A_415 : vector<16xf32>
      %scan3A_417 = arith.constant 99 : i32
      %scan3A_418 = arith.addi %scan3A_310, %scan3A_417 : i32
      %mul3A_419 = arith.constant 2 : i32
      %mul3A_420 = arith.muli %mul3A_419, %scan3A_418 : i32
      %add3A_421 = arith.constant 0 : i32
      %add3A_422 = arith.addi %mul3A_420, %add3A_421 : i32
      %get3A_423 = arith.constant 1 : i32
      %get3A_424 = arith.index_cast %get3A_423 : i32 to index
      %get3A_425 = arith.index_cast %add3A_422 : i32 to index
      %get3A_426 = arith.constant 0 : index
      %get3A_427 = tpu.vector_load %arg6[%get3A_424, %get3A_425, %get3A_426] {strides = array<i32>} : memref<4x200x32xf32, #tpu.memory_space<vmem>>, vector<16xf32>,
      %add3A_428 = arith.addf %add3A_394, %get3A_427 : vector<16xf32>
      %get3A_429 = arith.constant 1 : i32
      %get3A_430 = arith.index_cast %get3A_429 : i32 to index
      %get3A_431 = arith.index_cast %add3A_422 : i32 to index
      %get3A_432 = arith.constant 16 : index
      %get3A_433 = tpu.vector_load %arg6[%get3A_430, %get3A_431, %get3A_432] {strides = array<i32>} : memref<4x200x32xf32, #tpu.memory_space<vmem>>, vector<16xf32>,
      %add3A_434 = arith.addf %add3A_400, %get3A_433 : vector<16xf32>
      %mul3A_435 = arith.constant 2 : i32
      %mul3A_436 = arith.muli %mul3A_435, %scan3A_418 : i32
      %add3A_437 = arith.constant 1 : i32
      %add3A_438 = arith.addi %mul3A_436, %add3A_437 : i32
      %get3A_439 = arith.constant 1 : i32
      %get3A_440 = arith.index_cast %get3A_439 : i32 to index
      %get3A_441 = arith.index_cast %add3A_438 : i32 to index
      %get3A_442 = arith.constant 0 : index
      %get3A_443 = tpu.vector_load %arg6[%get3A_440, %get3A_441, %get3A_442] {strides = array<i32>} : memref<4x200x32xf32, #tpu.memory_space<vmem>>, vector<16xf32>,
      %add3A_444 = arith.addf %add3A_410, %get3A_443 : vector<16xf32>
      %get3A_445 = arith.constant 1 : i32
      %get3A_446 = arith.index_cast %get3A_445 : i32 to index
      %get3A_447 = arith.index_cast %add3A_438 : i32 to index
      %get3A_448 = arith.constant 16 : index
      %get3A_449 = tpu.vector_load %arg6[%get3A_446, %get3A_447, %get3A_448] {strides = array<i32>} : memref<4x200x32xf32, #tpu.memory_space<vmem>>, vector<16xf32>,
      %add3A_450 = arith.addf %add3A_416, %get3A_449 : vector<16xf32>
      %scan3A_451 = arith.constant 100 : i32
      %add3A_452 = arith.addf %add3A_428, %add3A_444 : vector<16xf32>
      %swap3A_453 = arith.index_cast %add3A_285 : i32 to index
      %swap3A_454 = arith.constant 0 : index
      %swap3A_455 = tpu.vector_load %arg7[%swap3A_453, %swap3A_454] {strides = array<i32>} : memref<128x32xf32, #tpu.memory_space<vmem>>, vector<16xf32>,
      tpu.vector_store %arg7[%swap3A_453, %swap3A_454], %add3A_452 {strides = array<i32>} : memref<128x32xf32, #tpu.memory_space<vmem>>, vector<16xf32>,
      %add3A_456 = arith.addf %add3A_434, %add3A_450 : vector<16xf32>
      %swap3A_457 = arith.index_cast %add3A_285 : i32 to index
      %swap3A_458 = arith.constant 16 : index
      %swap3A_459 = tpu.vector_load %arg7[%swap3A_457, %swap3A_458] {strides = array<i32>} : memref<128x32xf32, #tpu.memory_space<vmem>>, vector<16xf32>,
      tpu.vector_store %arg7[%swap3A_457, %swap3A_458], %add3A_456 {strides = array<i32>} : memref<128x32xf32, #tpu.memory_space<vmem>>, vector<16xf32>,
      %add3A_460 = arith.constant 4 : i32
      %add3A_461 = arith.addi %add3A_285, %add3A_460 : i32
      %lt3A_462 = arith.constant 128 : i32
      %lt3A_463 = arith.cmpi slt, %add3A_461, %lt3A_462 : i32
      %convert_element_type3A_464 = arith.extui %lt3A_463 : i1 to i32
      %cond3A_465 = arith.constant 0 : i32
      %cond3A_466 = arith.cmpi ne, %convert_element_type3A_464, %cond3A_465 : i32
      scf.if %cond3A_466 {
        %add3A_837 = arith.constant 4 : i32
        %add3A_838 = arith.addi %add3A_285, %add3A_837 : i32
        %dma_start3A_839 = arith.constant 1 : i32
        %dma_start3A_840 = arith.constant 0 : i32
        %dma_start3A_841 = arith.constant 0 : i32
        %dma_start3A_842 = tpu.memref_slice %arg6[%dma_start3A_839, %dma_start3A_840, %dma_start3A_841] : memref<4x200x32xf32, #tpu.memory_space<vmem>> -> memref<1x128x32xf32, #tpu.memory_space<vmem>>
        %dma_start3A_843 = tpu.memref_squeeze %dma_start3A_842 : memref<1x128x32xf32, #tpu.memory_space<vmem>> -> memref<128x32xf32, #tpu.memory_space<vmem>>
        %dma_start3A_844 = arith.constant 0 : i32
        %dma_start3A_845 = tpu.memref_slice %arg5[%add3A_838, %dma_start3A_844] : memref<128x200xi32, #tpu.memory_space<vmem>> -> memref<1x128xi32, #tpu.memory_space<vmem>>
        %dma_start3A_846 = tpu.memref_squeeze %dma_start3A_845 : memref<1x128xi32, #tpu.memory_space<vmem>> -> memref<128xi32, #tpu.memory_space<vmem>>
        %dma_start3A_847 = arith.constant 0 : i32
        %dma_start3A_848 = arith.constant 0 : i32
        %dma_start3A_849 = tpu.memref_slice %arg3[%dma_start3A_847, %dma_start3A_848] : memref<1000000x32xf32, #tpu.memory_space<hbm>> -> memref<1000000x32xf32, #tpu.memory_space<hbm>>
        tpu.enqueue_indirect_dma source(%dma_start3A_849 : memref<1000000x32xf32, #tpu.memory_space<hbm>>) target(%dma_start3A_843 : memref<128x32xf32, #tpu.memory_space<vmem>>) offsets(%dma_start3A_846 : memref<128xi32, #tpu.memory_space<vmem>>) semaphore(%arg9 : memref<!tpu.dma_semaphore, #tpu.memory_space<semaphore_mem>>)
        %dma_start3A_850 = arith.constant 1 : i32
        %dma_start3A_851 = arith.constant 128 : i32
        %dma_start3A_852 = arith.constant 0 : i32
        %dma_start3A_853 = tpu.memref_slice %arg6[%dma_start3A_850, %dma_start3A_851, %dma_start3A_852] : memref<4x200x32xf32, #tpu.memory_space<vmem>> -> memref<1x72x32xf32, #tpu.memory_space<vmem>>
        %dma_start3A_854 = tpu.memref_squeeze %dma_start3A_853 : memref<1x72x32xf32, #tpu.memory_space<vmem>> -> memref<72x32xf32, #tpu.memory_space<vmem>>
        %dma_start3A_855 = arith.constant 128 : i32
        %dma_start3A_856 = tpu.memref_slice %arg5[%add3A_838, %dma_start3A_855] : memref<128x200xi32, #tpu.memory_space<vmem>> -> memref<1x72xi32, #tpu.memory_space<vmem>>
        %dma_start3A_857 = tpu.memref_squeeze %dma_start3A_856 : memref<1x72xi32, #tpu.memory_space<vmem>> -> memref<72xi32, #tpu.memory_space<vmem>>
        %dma_start3A_858 = arith.constant 0 : i32
        %dma_start3A_859 = arith.constant 0 : i32
        %dma_start3A_860 = tpu.memref_slice %arg3[%dma_start3A_858, %dma_start3A_859] : memref<1000000x32xf32, #tpu.memory_space<hbm>> -> memref<1000000x32xf32, #tpu.memory_space<hbm>>
        tpu.enqueue_indirect_dma source(%dma_start3A_860 : memref<1000000x32xf32, #tpu.memory_space<hbm>>) target(%dma_start3A_854 : memref<72x32xf32, #tpu.memory_space<vmem>>) offsets(%dma_start3A_857 : memref<72xi32, #tpu.memory_space<vmem>>) semaphore(%arg9 : memref<!tpu.dma_semaphore, #tpu.memory_space<semaphore_mem>>)
      } else {
      }
      %mul3A_467 = arith.constant 4 : i32
      %mul3A_468 = arith.muli %mul3A_467, %scan3A_103 : i32
      %add3A_469 = arith.constant 2 : i32
      %add3A_470 = arith.addi %mul3A_468, %add3A_469 : i32
      %dma_wait3A_471 = arith.constant 2 : i32
      %dma_wait3A_472 = arith.constant 0 : i32
      %dma_wait3A_473 = arith.constant 0 : i32
      %dma_wait3A_474 = tpu.memref_slice %arg6[%dma_wait3A_471, %dma_wait3A_472, %dma_wait3A_473] : memref<4x200x32xf32, #tpu.memory_space<vmem>> -> memref<1x128x32xf32, #tpu.memory_space<vmem>>
      %dma_wait3A_475 = tpu.memref_squeeze %dma_wait3A_474 : memref<1x128x32xf32, #tpu.memory_space<vmem>> -> memref<128x32xf32, #tpu.memory_space<vmem>>
      %dma_wait3A_476 = arith.constant 0 : i32
      %dma_wait3A_477 = tpu.memref_slice %arg5[%add3A_470, %dma_wait3A_476] : memref<128x200xi32, #tpu.memory_space<vmem>> -> memref<1x128xi32, #tpu.memory_space<vmem>>
      %dma_wait3A_478 = tpu.memref_squeeze %dma_wait3A_477 : memref<1x128xi32, #tpu.memory_space<vmem>> -> memref<128xi32, #tpu.memory_space<vmem>>
      %dma_wait3A_479 = arith.constant 0 : i32
      %dma_wait3A_480 = arith.constant 0 : i32
      %dma_wait3A_481 = tpu.memref_slice %arg3[%dma_wait3A_479, %dma_wait3A_480] : memref<1000000x32xf32, #tpu.memory_space<hbm>> -> memref<1000000x32xf32, #tpu.memory_space<hbm>>
      tpu.wait_indirect_dma semaphore(%arg10 : memref<!tpu.dma_semaphore, #tpu.memory_space<semaphore_mem>>) src(%dma_wait3A_481 : memref<1000000x32xf32, #tpu.memory_space<hbm>>) dst(%dma_wait3A_475 : memref<128x32xf32, #tpu.memory_space<vmem>>)
      %dma_wait3A_482 = arith.constant 2 : i32
      %dma_wait3A_483 = arith.constant 128 : i32
      %dma_wait3A_484 = arith.constant 0 : i32
      %dma_wait3A_485 = tpu.memref_slice %arg6[%dma_wait3A_482, %dma_wait3A_483, %dma_wait3A_484] : memref<4x200x32xf32, #tpu.memory_space<vmem>> -> memref<1x72x32xf32, #tpu.memory_space<vmem>>
      %dma_wait3A_486 = tpu.memref_squeeze %dma_wait3A_485 : memref<1x72x32xf32, #tpu.memory_space<vmem>> -> memref<72x32xf32, #tpu.memory_space<vmem>>
      %dma_wait3A_487 = arith.constant 128 : i32
      %dma_wait3A_488 = tpu.memref_slice %arg5[%add3A_470, %dma_wait3A_487] : memref<128x200xi32, #tpu.memory_space<vmem>> -> memref<1x72xi32, #tpu.memory_space<vmem>>
      %dma_wait3A_489 = tpu.memref_squeeze %dma_wait3A_488 : memref<1x72xi32, #tpu.memory_space<vmem>> -> memref<72xi32, #tpu.memory_space<vmem>>
      %dma_wait3A_490 = arith.constant 0 : i32
      %dma_wait3A_491 = arith.constant 0 : i32
      %dma_wait3A_492 = tpu.memref_slice %arg3[%dma_wait3A_490, %dma_wait3A_491] : memref<1000000x32xf32, #tpu.memory_space<hbm>> -> memref<1000000x32xf32, #tpu.memory_space<hbm>>
      tpu.wait_indirect_dma semaphore(%arg10 : memref<!tpu.dma_semaphore, #tpu.memory_space<semaphore_mem>>) src(%dma_wait3A_492 : memref<1000000x32xf32, #tpu.memory_space<hbm>>) dst(%dma_wait3A_486 : memref<72x32xf32, #tpu.memory_space<vmem>>)
      %broadcast_in_dim3A_493 = arith.constant 0.000000e+00 : f32
      %broadcast_in_dim3A_494 = vector.broadcast %broadcast_in_dim3A_493 : f32 to vector<16xf32>
      %scan3A_495 = arith.constant 0 : i32
      %scan3A_496 = arith.constant 96 : i32
      %scan3A_497 = arith.addi %scan3A_495, %scan3A_496 : i32
      %scan3A_498 = arith.constant 8 : i32
      %scan3A_499:4 = scf.for %scan3A_837 = %scan3A_495 to %scan3A_497 step %scan3A_498 iter_args(%scan3A_838 = %broadcast_in_dim3A_494, %scan3A_839 = %broadcast_in_dim3A_494, %scan3A_840 = %broadcast_in_dim3A_494, %scan3A_841 = %broadcast_in_dim3A_494) -> (vector<16xf32>, vector<16xf32>, vector<16xf32>, vector<16xf32>)  : i32 {
        %mul3A_842 = arith.constant 2 : i32
        %mul3A_843 = arith.muli %mul3A_842, %scan3A_837 : i32
        %add3A_844 = arith.constant 0 : i32
        %add3A_845 = arith.addi %mul3A_843, %add3A_844 : i32
        %get3A_846 = arith.constant 2 : i32
        %get3A_847 = arith.index_cast %get3A_846 : i32 to index
        %get3A_848 = arith.index_cast %add3A_845 : i32 to index
        %get3A_849 = arith.constant 0 : index
        %get3A_850 = tpu.vector_load %arg6[%get3A_847, %get3A_848, %get3A_849] {strides = array<i32>} : memref<4x200x32xf32, #tpu.memory_space<vmem>>, vector<16xf32>,
        %add3A_851 = arith.addf %scan3A_838, %get3A_850 : vector<16xf32>
        %get3A_852 = arith.constant 2 : i32
        %get3A_853 = arith.index_cast %get3A_852 : i32 to index
        %get3A_854 = arith.index_cast %add3A_845 : i32 to index
        %get3A_855 = arith.constant 16 : index
        %get3A_856 = tpu.vector_load %arg6[%get3A_853, %get3A_854, %get3A_855] {strides = array<i32>} : memref<4x200x32xf32, #tpu.memory_space<vmem>>, vector<16xf32>,
        %add3A_857 = arith.addf %scan3A_839, %get3A_856 : vector<16xf32>
        %mul3A_858 = arith.constant 2 : i32
        %mul3A_859 = arith.muli %mul3A_858, %scan3A_837 : i32
        %add3A_860 = arith.constant 1 : i32
        %add3A_861 = arith.addi %mul3A_859, %add3A_860 : i32
        %get3A_862 = arith.constant 2 : i32
        %get3A_863 = arith.index_cast %get3A_862 : i32 to index
        %get3A_864 = arith.index_cast %add3A_861 : i32 to index
        %get3A_865 = arith.constant 0 : index
        %get3A_866 = tpu.vector_load %arg6[%get3A_863, %get3A_864, %get3A_865] {strides = array<i32>} : memref<4x200x32xf32, #tpu.memory_space<vmem>>, vector<16xf32>,
        %add3A_867 = arith.addf %scan3A_840, %get3A_866 : vector<16xf32>
        %get3A_868 = arith.constant 2 : i32
        %get3A_869 = arith.index_cast %get3A_868 : i32 to index
        %get3A_870 = arith.index_cast %add3A_861 : i32 to index
        %get3A_871 = arith.constant 16 : index
        %get3A_872 = tpu.vector_load %arg6[%get3A_869, %get3A_870, %get3A_871] {strides = array<i32>} : memref<4x200x32xf32, #tpu.memory_space<vmem>>, vector<16xf32>,
        %add3A_873 = arith.addf %scan3A_841, %get3A_872 : vector<16xf32>
        %scan3A_874 = arith.constant 1 : i32
        %scan3A_875 = arith.addi %scan3A_837, %scan3A_874 : i32
        %mul3A_876 = arith.constant 2 : i32
        %mul3A_877 = arith.muli %mul3A_876, %scan3A_875 : i32
        %add3A_878 = arith.constant 0 : i32
        %add3A_879 = arith.addi %mul3A_877, %add3A_878 : i32
        %get3A_880 = arith.constant 2 : i32
        %get3A_881 = arith.index_cast %get3A_880 : i32 to index
        %get3A_882 = arith.index_cast %add3A_879 : i32 to index
        %get3A_883 = arith.constant 0 : index
        %get3A_884 = tpu.vector_load %arg6[%get3A_881, %get3A_882, %get3A_883] {strides = array<i32>} : memref<4x200x32xf32, #tpu.memory_space<vmem>>, vector<16xf32>,
        %add3A_885 = arith.addf %add3A_851, %get3A_884 : vector<16xf32>
        %get3A_886 = arith.constant 2 : i32
        %get3A_887 = arith.index_cast %get3A_886 : i32 to index
        %get3A_888 = arith.index_cast %add3A_879 : i32 to index
        %get3A_889 = arith.constant 16 : index
        %get3A_890 = tpu.vector_load %arg6[%get3A_887, %get3A_888, %get3A_889] {strides = array<i32>} : memref<4x200x32xf32, #tpu.memory_space<vmem>>, vector<16xf32>,
        %add3A_891 = arith.addf %add3A_857, %get3A_890 : vector<16xf32>
        %mul3A_892 = arith.constant 2 : i32
        %mul3A_893 = arith.muli %mul3A_892, %scan3A_875 : i32
        %add3A_894 = arith.constant 1 : i32
        %add3A_895 = arith.addi %mul3A_893, %add3A_894 : i32
        %get3A_896 = arith.constant 2 : i32
        %get3A_897 = arith.index_cast %get3A_896 : i32 to index
        %get3A_898 = arith.index_cast %add3A_895 : i32 to index
        %get3A_899 = arith.constant 0 : index
        %get3A_900 = tpu.vector_load %arg6[%get3A_897, %get3A_898, %get3A_899] {strides = array<i32>} : memref<4x200x32xf32, #tpu.memory_space<vmem>>, vector<16xf32>,
        %add3A_901 = arith.addf %add3A_867, %get3A_900 : vector<16xf32>
        %get3A_902 = arith.constant 2 : i32
        %get3A_903 = arith.index_cast %get3A_902 : i32 to index
        %get3A_904 = arith.index_cast %add3A_895 : i32 to index
        %get3A_905 = arith.constant 16 : index
        %get3A_906 = tpu.vector_load %arg6[%get3A_903, %get3A_904, %get3A_905] {strides = array<i32>} : memref<4x200x32xf32, #tpu.memory_space<vmem>>, vector<16xf32>,
        %add3A_907 = arith.addf %add3A_873, %get3A_906 : vector<16xf32>
        %scan3A_908 = arith.constant 2 : i32
        %scan3A_909 = arith.addi %scan3A_837, %scan3A_908 : i32
        %mul3A_910 = arith.constant 2 : i32
        %mul3A_911 = arith.muli %mul3A_910, %scan3A_909 : i32
        %add3A_912 = arith.constant 0 : i32
        %add3A_913 = arith.addi %mul3A_911, %add3A_912 : i32
        %get3A_914 = arith.constant 2 : i32
        %get3A_915 = arith.index_cast %get3A_914 : i32 to index
        %get3A_916 = arith.index_cast %add3A_913 : i32 to index
        %get3A_917 = arith.constant 0 : index
        %get3A_918 = tpu.vector_load %arg6[%get3A_915, %get3A_916, %get3A_917] {strides = array<i32>} : memref<4x200x32xf32, #tpu.memory_space<vmem>>, vector<16xf32>,
        %add3A_919 = arith.addf %add3A_885, %get3A_918 : vector<16xf32>
        %get3A_920 = arith.constant 2 : i32
        %get3A_921 = arith.index_cast %get3A_920 : i32 to index
        %get3A_922 = arith.index_cast %add3A_913 : i32 to index
        %get3A_923 = arith.constant 16 : index
        %get3A_924 = tpu.vector_load %arg6[%get3A_921, %get3A_922, %get3A_923] {strides = array<i32>} : memref<4x200x32xf32, #tpu.memory_space<vmem>>, vector<16xf32>,
        %add3A_925 = arith.addf %add3A_891, %get3A_924 : vector<16xf32>
        %mul3A_926 = arith.constant 2 : i32
        %mul3A_927 = arith.muli %mul3A_926, %scan3A_909 : i32
        %add3A_928 = arith.constant 1 : i32
        %add3A_929 = arith.addi %mul3A_927, %add3A_928 : i32
        %get3A_930 = arith.constant 2 : i32
        %get3A_931 = arith.index_cast %get3A_930 : i32 to index
        %get3A_932 = arith.index_cast %add3A_929 : i32 to index
        %get3A_933 = arith.constant 0 : index
        %get3A_934 = tpu.vector_load %arg6[%get3A_931, %get3A_932, %get3A_933] {strides = array<i32>} : memref<4x200x32xf32, #tpu.memory_space<vmem>>, vector<16xf32>,
        %add3A_935 = arith.addf %add3A_901, %get3A_934 : vector<16xf32>
        %get3A_936 = arith.constant 2 : i32
        %get3A_937 = arith.index_cast %get3A_936 : i32 to index
        %get3A_938 = arith.index_cast %add3A_929 : i32 to index
        %get3A_939 = arith.constant 16 : index
        %get3A_940 = tpu.vector_load %arg6[%get3A_937, %get3A_938, %get3A_939] {strides = array<i32>} : memref<4x200x32xf32, #tpu.memory_space<vmem>>, vector<16xf32>,
        %add3A_941 = arith.addf %add3A_907, %get3A_940 : vector<16xf32>
        %scan3A_942 = arith.constant 3 : i32
        %scan3A_943 = arith.addi %scan3A_837, %scan3A_942 : i32
        %mul3A_944 = arith.constant 2 : i32
        %mul3A_945 = arith.muli %mul3A_944, %scan3A_943 : i32
        %add3A_946 = arith.constant 0 : i32
        %add3A_947 = arith.addi %mul3A_945, %add3A_946 : i32
        %get3A_948 = arith.constant 2 : i32
        %get3A_949 = arith.index_cast %get3A_948 : i32 to index
        %get3A_950 = arith.index_cast %add3A_947 : i32 to index
        %get3A_951 = arith.constant 0 : index
        %get3A_952 = tpu.vector_load %arg6[%get3A_949, %get3A_950, %get3A_951] {strides = array<i32>} : memref<4x200x32xf32, #tpu.memory_space<vmem>>, vector<16xf32>,
        %add3A_953 = arith.addf %add3A_919, %get3A_952 : vector<16xf32>
        %get3A_954 = arith.constant 2 : i32
        %get3A_955 = arith.index_cast %get3A_954 : i32 to index
        %get3A_956 = arith.index_cast %add3A_947 : i32 to index
        %get3A_957 = arith.constant 16 : index
        %get3A_958 = tpu.vector_load %arg6[%get3A_955, %get3A_956, %get3A_957] {strides = array<i32>} : memref<4x200x32xf32, #tpu.memory_space<vmem>>, vector<16xf32>,
        %add3A_959 = arith.addf %add3A_925, %get3A_958 : vector<16xf32>
        %mul3A_960 = arith.constant 2 : i32
        %mul3A_961 = arith.muli %mul3A_960, %scan3A_943 : i32
        %add3A_962 = arith.constant 1 : i32
        %add3A_963 = arith.addi %mul3A_961, %add3A_962 : i32
        %get3A_964 = arith.constant 2 : i32
        %get3A_965 = arith.index_cast %get3A_964 : i32 to index
        %get3A_966 = arith.index_cast %add3A_963 : i32 to index
        %get3A_967 = arith.constant 0 : index
        %get3A_968 = tpu.vector_load %arg6[%get3A_965, %get3A_966, %get3A_967] {strides = array<i32>} : memref<4x200x32xf32, #tpu.memory_space<vmem>>, vector<16xf32>,
        %add3A_969 = arith.addf %add3A_935, %get3A_968 : vector<16xf32>
        %get3A_970 = arith.constant 2 : i32
        %get3A_971 = arith.index_cast %get3A_970 : i32 to index
        %get3A_972 = arith.index_cast %add3A_963 : i32 to index
        %get3A_973 = arith.constant 16 : index
        %get3A_974 = tpu.vector_load %arg6[%get3A_971, %get3A_972, %get3A_973] {strides = array<i32>} : memref<4x200x32xf32, #tpu.memory_space<vmem>>, vector<16xf32>,
        %add3A_975 = arith.addf %add3A_941, %get3A_974 : vector<16xf32>
        %scan3A_976 = arith.constant 4 : i32
        %scan3A_977 = arith.addi %scan3A_837, %scan3A_976 : i32
        %mul3A_978 = arith.constant 2 : i32
        %mul3A_979 = arith.muli %mul3A_978, %scan3A_977 : i32
        %add3A_980 = arith.constant 0 : i32
        %add3A_981 = arith.addi %mul3A_979, %add3A_980 : i32
        %get3A_982 = arith.constant 2 : i32
        %get3A_983 = arith.index_cast %get3A_982 : i32 to index
        %get3A_984 = arith.index_cast %add3A_981 : i32 to index
        %get3A_985 = arith.constant 0 : index
        %get3A_986 = tpu.vector_load %arg6[%get3A_983, %get3A_984, %get3A_985] {strides = array<i32>} : memref<4x200x32xf32, #tpu.memory_space<vmem>>, vector<16xf32>,
        %add3A_987 = arith.addf %add3A_953, %get3A_986 : vector<16xf32>
        %get3A_988 = arith.constant 2 : i32
        %get3A_989 = arith.index_cast %get3A_988 : i32 to index
        %get3A_990 = arith.index_cast %add3A_981 : i32 to index
        %get3A_991 = arith.constant 16 : index
        %get3A_992 = tpu.vector_load %arg6[%get3A_989, %get3A_990, %get3A_991] {strides = array<i32>} : memref<4x200x32xf32, #tpu.memory_space<vmem>>, vector<16xf32>,
        %add3A_993 = arith.addf %add3A_959, %get3A_992 : vector<16xf32>
        %mul3A_994 = arith.constant 2 : i32
        %mul3A_995 = arith.muli %mul3A_994, %scan3A_977 : i32
        %add3A_996 = arith.constant 1 : i32
        %add3A_997 = arith.addi %mul3A_995, %add3A_996 : i32
        %get3A_998 = arith.constant 2 : i32
        %get3A_999 = arith.index_cast %get3A_998 : i32 to index
        %get3A_1000 = arith.index_cast %add3A_997 : i32 to index
        %get3A_1001 = arith.constant 0 : index
        %get3A_1002 = tpu.vector_load %arg6[%get3A_999, %get3A_1000, %get3A_1001] {strides = array<i32>} : memref<4x200x32xf32, #tpu.memory_space<vmem>>, vector<16xf32>,
        %add3A_1003 = arith.addf %add3A_969, %get3A_1002 : vector<16xf32>
        %get3A_1004 = arith.constant 2 : i32
        %get3A_1005 = arith.index_cast %get3A_1004 : i32 to index
        %get3A_1006 = arith.index_cast %add3A_997 : i32 to index
        %get3A_1007 = arith.constant 16 : index
        %get3A_1008 = tpu.vector_load %arg6[%get3A_1005, %get3A_1006, %get3A_1007] {strides = array<i32>} : memref<4x200x32xf32, #tpu.memory_space<vmem>>, vector<16xf32>,
        %add3A_1009 = arith.addf %add3A_975, %get3A_1008 : vector<16xf32>
        %scan3A_1010 = arith.constant 5 : i32
        %scan3A_1011 = arith.addi %scan3A_837, %scan3A_1010 : i32
        %mul3A_1012 = arith.constant 2 : i32
        %mul3A_1013 = arith.muli %mul3A_1012, %scan3A_1011 : i32
        %add3A_1014 = arith.constant 0 : i32
        %add3A_1015 = arith.addi %mul3A_1013, %add3A_1014 : i32
        %get3A_1016 = arith.constant 2 : i32
        %get3A_1017 = arith.index_cast %get3A_1016 : i32 to index
        %get3A_1018 = arith.index_cast %add3A_1015 : i32 to index
        %get3A_1019 = arith.constant 0 : index
        %get3A_1020 = tpu.vector_load %arg6[%get3A_1017, %get3A_1018, %get3A_1019] {strides = array<i32>} : memref<4x200x32xf32, #tpu.memory_space<vmem>>, vector<16xf32>,
        %add3A_1021 = arith.addf %add3A_987, %get3A_1020 : vector<16xf32>
        %get3A_1022 = arith.constant 2 : i32
        %get3A_1023 = arith.index_cast %get3A_1022 : i32 to index
        %get3A_1024 = arith.index_cast %add3A_1015 : i32 to index
        %get3A_1025 = arith.constant 16 : index
        %get3A_1026 = tpu.vector_load %arg6[%get3A_1023, %get3A_1024, %get3A_1025] {strides = array<i32>} : memref<4x200x32xf32, #tpu.memory_space<vmem>>, vector<16xf32>,
        %add3A_1027 = arith.addf %add3A_993, %get3A_1026 : vector<16xf32>
        %mul3A_1028 = arith.constant 2 : i32
        %mul3A_1029 = arith.muli %mul3A_1028, %scan3A_1011 : i32
        %add3A_1030 = arith.constant 1 : i32
        %add3A_1031 = arith.addi %mul3A_1029, %add3A_1030 : i32
        %get3A_1032 = arith.constant 2 : i32
        %get3A_1033 = arith.index_cast %get3A_1032 : i32 to index
        %get3A_1034 = arith.index_cast %add3A_1031 : i32 to index
        %get3A_1035 = arith.constant 0 : index
        %get3A_1036 = tpu.vector_load %arg6[%get3A_1033, %get3A_1034, %get3A_1035] {strides = array<i32>} : memref<4x200x32xf32, #tpu.memory_space<vmem>>, vector<16xf32>,
        %add3A_1037 = arith.addf %add3A_1003, %get3A_1036 : vector<16xf32>
        %get3A_1038 = arith.constant 2 : i32
        %get3A_1039 = arith.index_cast %get3A_1038 : i32 to index
        %get3A_1040 = arith.index_cast %add3A_1031 : i32 to index
        %get3A_1041 = arith.constant 16 : index
        %get3A_1042 = tpu.vector_load %arg6[%get3A_1039, %get3A_1040, %get3A_1041] {strides = array<i32>} : memref<4x200x32xf32, #tpu.memory_space<vmem>>, vector<16xf32>,
        %add3A_1043 = arith.addf %add3A_1009, %get3A_1042 : vector<16xf32>
        %scan3A_1044 = arith.constant 6 : i32
        %scan3A_1045 = arith.addi %scan3A_837, %scan3A_1044 : i32
        %mul3A_1046 = arith.constant 2 : i32
        %mul3A_1047 = arith.muli %mul3A_1046, %scan3A_1045 : i32
        %add3A_1048 = arith.constant 0 : i32
        %add3A_1049 = arith.addi %mul3A_1047, %add3A_1048 : i32
        %get3A_1050 = arith.constant 2 : i32
        %get3A_1051 = arith.index_cast %get3A_1050 : i32 to index
        %get3A_1052 = arith.index_cast %add3A_1049 : i32 to index
        %get3A_1053 = arith.constant 0 : index
        %get3A_1054 = tpu.vector_load %arg6[%get3A_1051, %get3A_1052, %get3A_1053] {strides = array<i32>} : memref<4x200x32xf32, #tpu.memory_space<vmem>>, vector<16xf32>,
        %add3A_1055 = arith.addf %add3A_1021, %get3A_1054 : vector<16xf32>
        %get3A_1056 = arith.constant 2 : i32
        %get3A_1057 = arith.index_cast %get3A_1056 : i32 to index
        %get3A_1058 = arith.index_cast %add3A_1049 : i32 to index
        %get3A_1059 = arith.constant 16 : index
        %get3A_1060 = tpu.vector_load %arg6[%get3A_1057, %get3A_1058, %get3A_1059] {strides = array<i32>} : memref<4x200x32xf32, #tpu.memory_space<vmem>>, vector<16xf32>,
        %add3A_1061 = arith.addf %add3A_1027, %get3A_1060 : vector<16xf32>
        %mul3A_1062 = arith.constant 2 : i32
        %mul3A_1063 = arith.muli %mul3A_1062, %scan3A_1045 : i32
        %add3A_1064 = arith.constant 1 : i32
        %add3A_1065 = arith.addi %mul3A_1063, %add3A_1064 : i32
        %get3A_1066 = arith.constant 2 : i32
        %get3A_1067 = arith.index_cast %get3A_1066 : i32 to index
        %get3A_1068 = arith.index_cast %add3A_1065 : i32 to index
        %get3A_1069 = arith.constant 0 : index
        %get3A_1070 = tpu.vector_load %arg6[%get3A_1067, %get3A_1068, %get3A_1069] {strides = array<i32>} : memref<4x200x32xf32, #tpu.memory_space<vmem>>, vector<16xf32>,
        %add3A_1071 = arith.addf %add3A_1037, %get3A_1070 : vector<16xf32>
        %get3A_1072 = arith.constant 2 : i32
        %get3A_1073 = arith.index_cast %get3A_1072 : i32 to index
        %get3A_1074 = arith.index_cast %add3A_1065 : i32 to index
        %get3A_1075 = arith.constant 16 : index
        %get3A_1076 = tpu.vector_load %arg6[%get3A_1073, %get3A_1074, %get3A_1075] {strides = array<i32>} : memref<4x200x32xf32, #tpu.memory_space<vmem>>, vector<16xf32>,
        %add3A_1077 = arith.addf %add3A_1043, %get3A_1076 : vector<16xf32>
        %scan3A_1078 = arith.constant 7 : i32
        %scan3A_1079 = arith.addi %scan3A_837, %scan3A_1078 : i32
        %mul3A_1080 = arith.constant 2 : i32
        %mul3A_1081 = arith.muli %mul3A_1080, %scan3A_1079 : i32
        %add3A_1082 = arith.constant 0 : i32
        %add3A_1083 = arith.addi %mul3A_1081, %add3A_1082 : i32
        %get3A_1084 = arith.constant 2 : i32
        %get3A_1085 = arith.index_cast %get3A_1084 : i32 to index
        %get3A_1086 = arith.index_cast %add3A_1083 : i32 to index
        %get3A_1087 = arith.constant 0 : index
        %get3A_1088 = tpu.vector_load %arg6[%get3A_1085, %get3A_1086, %get3A_1087] {strides = array<i32>} : memref<4x200x32xf32, #tpu.memory_space<vmem>>, vector<16xf32>,
        %add3A_1089 = arith.addf %add3A_1055, %get3A_1088 : vector<16xf32>
        %get3A_1090 = arith.constant 2 : i32
        %get3A_1091 = arith.index_cast %get3A_1090 : i32 to index
        %get3A_1092 = arith.index_cast %add3A_1083 : i32 to index
        %get3A_1093 = arith.constant 16 : index
        %get3A_1094 = tpu.vector_load %arg6[%get3A_1091, %get3A_1092, %get3A_1093] {strides = array<i32>} : memref<4x200x32xf32, #tpu.memory_space<vmem>>, vector<16xf32>,
        %add3A_1095 = arith.addf %add3A_1061, %get3A_1094 : vector<16xf32>
        %mul3A_1096 = arith.constant 2 : i32
        %mul3A_1097 = arith.muli %mul3A_1096, %scan3A_1079 : i32
        %add3A_1098 = arith.constant 1 : i32
        %add3A_1099 = arith.addi %mul3A_1097, %add3A_1098 : i32
        %get3A_1100 = arith.constant 2 : i32
        %get3A_1101 = arith.index_cast %get3A_1100 : i32 to index
        %get3A_1102 = arith.index_cast %add3A_1099 : i32 to index
        %get3A_1103 = arith.constant 0 : index
        %get3A_1104 = tpu.vector_load %arg6[%get3A_1101, %get3A_1102, %get3A_1103] {strides = array<i32>} : memref<4x200x32xf32, #tpu.memory_space<vmem>>, vector<16xf32>,
        %add3A_1105 = arith.addf %add3A_1071, %get3A_1104 : vector<16xf32>
        %get3A_1106 = arith.constant 2 : i32
        %get3A_1107 = arith.index_cast %get3A_1106 : i32 to index
        %get3A_1108 = arith.index_cast %add3A_1099 : i32 to index
        %get3A_1109 = arith.constant 16 : index
        %get3A_1110 = tpu.vector_load %arg6[%get3A_1107, %get3A_1108, %get3A_1109] {strides = array<i32>} : memref<4x200x32xf32, #tpu.memory_space<vmem>>, vector<16xf32>,
        %add3A_1111 = arith.addf %add3A_1077, %get3A_1110 : vector<16xf32>
        scf.yield %add3A_1089, %add3A_1095, %add3A_1105, %add3A_1111 : vector<16xf32>, vector<16xf32>, vector<16xf32>, vector<16xf32>
      }
      %scan3A_500 = arith.constant 96 : i32
      %scan3A_501 = arith.addi %scan3A_495, %scan3A_500 : i32
      %mul3A_502 = arith.constant 2 : i32
      %mul3A_503 = arith.muli %mul3A_502, %scan3A_501 : i32
      %add3A_504 = arith.constant 0 : i32
      %add3A_505 = arith.addi %mul3A_503, %add3A_504 : i32
      %get3A_506 = arith.constant 2 : i32
      %get3A_507 = arith.index_cast %get3A_506 : i32 to index
      %get3A_508 = arith.index_cast %add3A_505 : i32 to index
      %get3A_509 = arith.constant 0 : index
      %get3A_510 = tpu.vector_load %arg6[%get3A_507, %get3A_508, %get3A_509] {strides = array<i32>} : memref<4x200x32xf32, #tpu.memory_space<vmem>>, vector<16xf32>,
      %add3A_511 = arith.addf %scan3A_499#0, %get3A_510 : vector<16xf32>
      %get3A_512 = arith.constant 2 : i32
      %get3A_513 = arith.index_cast %get3A_512 : i32 to index
      %get3A_514 = arith.index_cast %add3A_505 : i32 to index
      %get3A_515 = arith.constant 16 : index
      %get3A_516 = tpu.vector_load %arg6[%get3A_513, %get3A_514, %get3A_515] {strides = array<i32>} : memref<4x200x32xf32, #tpu.memory_space<vmem>>, vector<16xf32>,
      %add3A_517 = arith.addf %scan3A_499#1, %get3A_516 : vector<16xf32>
      %mul3A_518 = arith.constant 2 : i32
      %mul3A_519 = arith.muli %mul3A_518, %scan3A_501 : i32
      %add3A_520 = arith.constant 1 : i32
      %add3A_521 = arith.addi %mul3A_519, %add3A_520 : i32
      %get3A_522 = arith.constant 2 : i32
      %get3A_523 = arith.index_cast %get3A_522 : i32 to index
      %get3A_524 = arith.index_cast %add3A_521 : i32 to index
      %get3A_525 = arith.constant 0 : index
      %get3A_526 = tpu.vector_load %arg6[%get3A_523, %get3A_524, %get3A_525] {strides = array<i32>} : memref<4x200x32xf32, #tpu.memory_space<vmem>>, vector<16xf32>,
      %add3A_527 = arith.addf %scan3A_499#2, %get3A_526 : vector<16xf32>
      %get3A_528 = arith.constant 2 : i32
      %get3A_529 = arith.index_cast %get3A_528 : i32 to index
      %get3A_530 = arith.index_cast %add3A_521 : i32 to index
      %get3A_531 = arith.constant 16 : index
      %get3A_532 = tpu.vector_load %arg6[%get3A_529, %get3A_530, %get3A_531] {strides = array<i32>} : memref<4x200x32xf32, #tpu.memory_space<vmem>>, vector<16xf32>,
      %add3A_533 = arith.addf %scan3A_499#3, %get3A_532 : vector<16xf32>
      %scan3A_534 = arith.constant 97 : i32
      %scan3A_535 = arith.addi %scan3A_495, %scan3A_534 : i32
      %mul3A_536 = arith.constant 2 : i32
      %mul3A_537 = arith.muli %mul3A_536, %scan3A_535 : i32
      %add3A_538 = arith.constant 0 : i32
      %add3A_539 = arith.addi %mul3A_537, %add3A_538 : i32
      %get3A_540 = arith.constant 2 : i32
      %get3A_541 = arith.index_cast %get3A_540 : i32 to index
      %get3A_542 = arith.index_cast %add3A_539 : i32 to index
      %get3A_543 = arith.constant 0 : index
      %get3A_544 = tpu.vector_load %arg6[%get3A_541, %get3A_542, %get3A_543] {strides = array<i32>} : memref<4x200x32xf32, #tpu.memory_space<vmem>>, vector<16xf32>,
      %add3A_545 = arith.addf %add3A_511, %get3A_544 : vector<16xf32>
      %get3A_546 = arith.constant 2 : i32
      %get3A_547 = arith.index_cast %get3A_546 : i32 to index
      %get3A_548 = arith.index_cast %add3A_539 : i32 to index
      %get3A_549 = arith.constant 16 : index
      %get3A_550 = tpu.vector_load %arg6[%get3A_547, %get3A_548, %get3A_549] {strides = array<i32>} : memref<4x200x32xf32, #tpu.memory_space<vmem>>, vector<16xf32>,
      %add3A_551 = arith.addf %add3A_517, %get3A_550 : vector<16xf32>
      %mul3A_552 = arith.constant 2 : i32
      %mul3A_553 = arith.muli %mul3A_552, %scan3A_535 : i32
      %add3A_554 = arith.constant 1 : i32
      %add3A_555 = arith.addi %mul3A_553, %add3A_554 : i32
      %get3A_556 = arith.constant 2 : i32
      %get3A_557 = arith.index_cast %get3A_556 : i32 to index
      %get3A_558 = arith.index_cast %add3A_555 : i32 to index
      %get3A_559 = arith.constant 0 : index
      %get3A_560 = tpu.vector_load %arg6[%get3A_557, %get3A_558, %get3A_559] {strides = array<i32>} : memref<4x200x32xf32, #tpu.memory_space<vmem>>, vector<16xf32>,
      %add3A_561 = arith.addf %add3A_527, %get3A_560 : vector<16xf32>
      %get3A_562 = arith.constant 2 : i32
      %get3A_563 = arith.index_cast %get3A_562 : i32 to index
      %get3A_564 = arith.index_cast %add3A_555 : i32 to index
      %get3A_565 = arith.constant 16 : index
      %get3A_566 = tpu.vector_load %arg6[%get3A_563, %get3A_564, %get3A_565] {strides = array<i32>} : memref<4x200x32xf32, #tpu.memory_space<vmem>>, vector<16xf32>,
      %add3A_567 = arith.addf %add3A_533, %get3A_566 : vector<16xf32>
      %scan3A_568 = arith.constant 98 : i32
      %scan3A_569 = arith.addi %scan3A_495, %scan3A_568 : i32
      %mul3A_570 = arith.constant 2 : i32
      %mul3A_571 = arith.muli %mul3A_570, %scan3A_569 : i32
      %add3A_572 = arith.constant 0 : i32
      %add3A_573 = arith.addi %mul3A_571, %add3A_572 : i32
      %get3A_574 = arith.constant 2 : i32
      %get3A_575 = arith.index_cast %get3A_574 : i32 to index
      %get3A_576 = arith.index_cast %add3A_573 : i32 to index
      %get3A_577 = arith.constant 0 : index
      %get3A_578 = tpu.vector_load %arg6[%get3A_575, %get3A_576, %get3A_577] {strides = array<i32>} : memref<4x200x32xf32, #tpu.memory_space<vmem>>, vector<16xf32>,
      %add3A_579 = arith.addf %add3A_545, %get3A_578 : vector<16xf32>
      %get3A_580 = arith.constant 2 : i32
      %get3A_581 = arith.index_cast %get3A_580 : i32 to index
      %get3A_582 = arith.index_cast %add3A_573 : i32 to index
      %get3A_583 = arith.constant 16 : index
      %get3A_584 = tpu.vector_load %arg6[%get3A_581, %get3A_582, %get3A_583] {strides = array<i32>} : memref<4x200x32xf32, #tpu.memory_space<vmem>>, vector<16xf32>,
      %add3A_585 = arith.addf %add3A_551, %get3A_584 : vector<16xf32>
      %mul3A_586 = arith.constant 2 : i32
      %mul3A_587 = arith.muli %mul3A_586, %scan3A_569 : i32
      %add3A_588 = arith.constant 1 : i32
      %add3A_589 = arith.addi %mul3A_587, %add3A_588 : i32
      %get3A_590 = arith.constant 2 : i32
      %get3A_591 = arith.index_cast %get3A_590 : i32 to index
      %get3A_592 = arith.index_cast %add3A_589 : i32 to index
      %get3A_593 = arith.constant 0 : index
      %get3A_594 = tpu.vector_load %arg6[%get3A_591, %get3A_592, %get3A_593] {strides = array<i32>} : memref<4x200x32xf32, #tpu.memory_space<vmem>>, vector<16xf32>,
      %add3A_595 = arith.addf %add3A_561, %get3A_594 : vector<16xf32>
      %get3A_596 = arith.constant 2 : i32
      %get3A_597 = arith.index_cast %get3A_596 : i32 to index
      %get3A_598 = arith.index_cast %add3A_589 : i32 to index
      %get3A_599 = arith.constant 16 : index
      %get3A_600 = tpu.vector_load %arg6[%get3A_597, %get3A_598, %get3A_599] {strides = array<i32>} : memref<4x200x32xf32, #tpu.memory_space<vmem>>, vector<16xf32>,
      %add3A_601 = arith.addf %add3A_567, %get3A_600 : vector<16xf32>
      %scan3A_602 = arith.constant 99 : i32
      %scan3A_603 = arith.addi %scan3A_495, %scan3A_602 : i32
      %mul3A_604 = arith.constant 2 : i32
      %mul3A_605 = arith.muli %mul3A_604, %scan3A_603 : i32
      %add3A_606 = arith.constant 0 : i32
      %add3A_607 = arith.addi %mul3A_605, %add3A_606 : i32
      %get3A_608 = arith.constant 2 : i32
      %get3A_609 = arith.index_cast %get3A_608 : i32 to index
      %get3A_610 = arith.index_cast %add3A_607 : i32 to index
      %get3A_611 = arith.constant 0 : index
      %get3A_612 = tpu.vector_load %arg6[%get3A_609, %get3A_610, %get3A_611] {strides = array<i32>} : memref<4x200x32xf32, #tpu.memory_space<vmem>>, vector<16xf32>,
      %add3A_613 = arith.addf %add3A_579, %get3A_612 : vector<16xf32>
      %get3A_614 = arith.constant 2 : i32
      %get3A_615 = arith.index_cast %get3A_614 : i32 to index
      %get3A_616 = arith.index_cast %add3A_607 : i32 to index
      %get3A_617 = arith.constant 16 : index
      %get3A_618 = tpu.vector_load %arg6[%get3A_615, %get3A_616, %get3A_617] {strides = array<i32>} : memref<4x200x32xf32, #tpu.memory_space<vmem>>, vector<16xf32>,
      %add3A_619 = arith.addf %add3A_585, %get3A_618 : vector<16xf32>
      %mul3A_620 = arith.constant 2 : i32
      %mul3A_621 = arith.muli %mul3A_620, %scan3A_603 : i32
      %add3A_622 = arith.constant 1 : i32
      %add3A_623 = arith.addi %mul3A_621, %add3A_622 : i32
      %get3A_624 = arith.constant 2 : i32
      %get3A_625 = arith.index_cast %get3A_624 : i32 to index
      %get3A_626 = arith.index_cast %add3A_623 : i32 to index
      %get3A_627 = arith.constant 0 : index
      %get3A_628 = tpu.vector_load %arg6[%get3A_625, %get3A_626, %get3A_627] {strides = array<i32>} : memref<4x200x32xf32, #tpu.memory_space<vmem>>, vector<16xf32>,
      %add3A_629 = arith.addf %add3A_595, %get3A_628 : vector<16xf32>
      %get3A_630 = arith.constant 2 : i32
      %get3A_631 = arith.index_cast %get3A_630 : i32 to index
      %get3A_632 = arith.index_cast %add3A_623 : i32 to index
      %get3A_633 = arith.constant 16 : index
      %get3A_634 = tpu.vector_load %arg6[%get3A_631, %get3A_632, %get3A_633] {strides = array<i32>} : memref<4x200x32xf32, #tpu.memory_space<vmem>>, vector<16xf32>,
      %add3A_635 = arith.addf %add3A_601, %get3A_634 : vector<16xf32>
      %scan3A_636 = arith.constant 100 : i32
      %add3A_637 = arith.addf %add3A_613, %add3A_629 : vector<16xf32>
      %swap3A_638 = arith.index_cast %add3A_470 : i32 to index
      %swap3A_639 = arith.constant 0 : index
      %swap3A_640 = tpu.vector_load %arg7[%swap3A_638, %swap3A_639] {strides = array<i32>} : memref<128x32xf32, #tpu.memory_space<vmem>>, vector<16xf32>,
      tpu.vector_store %arg7[%swap3A_638, %swap3A_639], %add3A_637 {strides = array<i32>} : memref<128x32xf32, #tpu.memory_space<vmem>>, vector<16xf32>,
      %add3A_641 = arith.addf %add3A_619, %add3A_635 : vector<16xf32>
      %swap3A_642 = arith.index_cast %add3A_470 : i32 to index
      %swap3A_643 = arith.constant 16 : index
      %swap3A_644 = tpu.vector_load %arg7[%swap3A_642, %swap3A_643] {strides = array<i32>} : memref<128x32xf32, #tpu.memory_space<vmem>>, vector<16xf32>,
      tpu.vector_store %arg7[%swap3A_642, %swap3A_643], %add3A_641 {strides = array<i32>} : memref<128x32xf32, #tpu.memory_space<vmem>>, vector<16xf32>,
      %add3A_645 = arith.constant 4 : i32
      %add3A_646 = arith.addi %add3A_470, %add3A_645 : i32
      %lt3A_647 = arith.constant 128 : i32
      %lt3A_648 = arith.cmpi slt, %add3A_646, %lt3A_647 : i32
      %convert_element_type3A_649 = arith.extui %lt3A_648 : i1 to i32
      %cond3A_650 = arith.constant 0 : i32
      %cond3A_651 = arith.cmpi ne, %convert_element_type3A_649, %cond3A_650 : i32
      scf.if %cond3A_651 {
        %add3A_837 = arith.constant 4 : i32
        %add3A_838 = arith.addi %add3A_470, %add3A_837 : i32
        %dma_start3A_839 = arith.constant 2 : i32
        %dma_start3A_840 = arith.constant 0 : i32
        %dma_start3A_841 = arith.constant 0 : i32
        %dma_start3A_842 = tpu.memref_slice %arg6[%dma_start3A_839, %dma_start3A_840, %dma_start3A_841] : memref<4x200x32xf32, #tpu.memory_space<vmem>> -> memref<1x128x32xf32, #tpu.memory_space<vmem>>
        %dma_start3A_843 = tpu.memref_squeeze %dma_start3A_842 : memref<1x128x32xf32, #tpu.memory_space<vmem>> -> memref<128x32xf32, #tpu.memory_space<vmem>>
        %dma_start3A_844 = arith.constant 0 : i32
        %dma_start3A_845 = tpu.memref_slice %arg5[%add3A_838, %dma_start3A_844] : memref<128x200xi32, #tpu.memory_space<vmem>> -> memref<1x128xi32, #tpu.memory_space<vmem>>
        %dma_start3A_846 = tpu.memref_squeeze %dma_start3A_845 : memref<1x128xi32, #tpu.memory_space<vmem>> -> memref<128xi32, #tpu.memory_space<vmem>>
        %dma_start3A_847 = arith.constant 0 : i32
        %dma_start3A_848 = arith.constant 0 : i32
        %dma_start3A_849 = tpu.memref_slice %arg3[%dma_start3A_847, %dma_start3A_848] : memref<1000000x32xf32, #tpu.memory_space<hbm>> -> memref<1000000x32xf32, #tpu.memory_space<hbm>>
        tpu.enqueue_indirect_dma source(%dma_start3A_849 : memref<1000000x32xf32, #tpu.memory_space<hbm>>) target(%dma_start3A_843 : memref<128x32xf32, #tpu.memory_space<vmem>>) offsets(%dma_start3A_846 : memref<128xi32, #tpu.memory_space<vmem>>) semaphore(%arg10 : memref<!tpu.dma_semaphore, #tpu.memory_space<semaphore_mem>>)
        %dma_start3A_850 = arith.constant 2 : i32
        %dma_start3A_851 = arith.constant 128 : i32
        %dma_start3A_852 = arith.constant 0 : i32
        %dma_start3A_853 = tpu.memref_slice %arg6[%dma_start3A_850, %dma_start3A_851, %dma_start3A_852] : memref<4x200x32xf32, #tpu.memory_space<vmem>> -> memref<1x72x32xf32, #tpu.memory_space<vmem>>
        %dma_start3A_854 = tpu.memref_squeeze %dma_start3A_853 : memref<1x72x32xf32, #tpu.memory_space<vmem>> -> memref<72x32xf32, #tpu.memory_space<vmem>>
        %dma_start3A_855 = arith.constant 128 : i32
        %dma_start3A_856 = tpu.memref_slice %arg5[%add3A_838, %dma_start3A_855] : memref<128x200xi32, #tpu.memory_space<vmem>> -> memref<1x72xi32, #tpu.memory_space<vmem>>
        %dma_start3A_857 = tpu.memref_squeeze %dma_start3A_856 : memref<1x72xi32, #tpu.memory_space<vmem>> -> memref<72xi32, #tpu.memory_space<vmem>>
        %dma_start3A_858 = arith.constant 0 : i32
        %dma_start3A_859 = arith.constant 0 : i32
        %dma_start3A_860 = tpu.memref_slice %arg3[%dma_start3A_858, %dma_start3A_859] : memref<1000000x32xf32, #tpu.memory_space<hbm>> -> memref<1000000x32xf32, #tpu.memory_space<hbm>>
        tpu.enqueue_indirect_dma source(%dma_start3A_860 : memref<1000000x32xf32, #tpu.memory_space<hbm>>) target(%dma_start3A_854 : memref<72x32xf32, #tpu.memory_space<vmem>>) offsets(%dma_start3A_857 : memref<72xi32, #tpu.memory_space<vmem>>) semaphore(%arg10 : memref<!tpu.dma_semaphore, #tpu.memory_space<semaphore_mem>>)
      } else {
      }
      %mul3A_652 = arith.constant 4 : i32
      %mul3A_653 = arith.muli %mul3A_652, %scan3A_103 : i32
      %add3A_654 = arith.constant 3 : i32
      %add3A_655 = arith.addi %mul3A_653, %add3A_654 : i32
      %dma_wait3A_656 = arith.constant 3 : i32
      %dma_wait3A_657 = arith.constant 0 : i32
      %dma_wait3A_658 = arith.constant 0 : i32
      %dma_wait3A_659 = tpu.memref_slice %arg6[%dma_wait3A_656, %dma_wait3A_657, %dma_wait3A_658] : memref<4x200x32xf32, #tpu.memory_space<vmem>> -> memref<1x128x32xf32, #tpu.memory_space<vmem>>
      %dma_wait3A_660 = tpu.memref_squeeze %dma_wait3A_659 : memref<1x128x32xf32, #tpu.memory_space<vmem>> -> memref<128x32xf32, #tpu.memory_space<vmem>>
      %dma_wait3A_661 = arith.constant 0 : i32
      %dma_wait3A_662 = tpu.memref_slice %arg5[%add3A_655, %dma_wait3A_661] : memref<128x200xi32, #tpu.memory_space<vmem>> -> memref<1x128xi32, #tpu.memory_space<vmem>>
      %dma_wait3A_663 = tpu.memref_squeeze %dma_wait3A_662 : memref<1x128xi32, #tpu.memory_space<vmem>> -> memref<128xi32, #tpu.memory_space<vmem>>
      %dma_wait3A_664 = arith.constant 0 : i32
      %dma_wait3A_665 = arith.constant 0 : i32
      %dma_wait3A_666 = tpu.memref_slice %arg3[%dma_wait3A_664, %dma_wait3A_665] : memref<1000000x32xf32, #tpu.memory_space<hbm>> -> memref<1000000x32xf32, #tpu.memory_space<hbm>>
      tpu.wait_indirect_dma semaphore(%arg11 : memref<!tpu.dma_semaphore, #tpu.memory_space<semaphore_mem>>) src(%dma_wait3A_666 : memref<1000000x32xf32, #tpu.memory_space<hbm>>) dst(%dma_wait3A_660 : memref<128x32xf32, #tpu.memory_space<vmem>>)
      %dma_wait3A_667 = arith.constant 3 : i32
      %dma_wait3A_668 = arith.constant 128 : i32
      %dma_wait3A_669 = arith.constant 0 : i32
      %dma_wait3A_670 = tpu.memref_slice %arg6[%dma_wait3A_667, %dma_wait3A_668, %dma_wait3A_669] : memref<4x200x32xf32, #tpu.memory_space<vmem>> -> memref<1x72x32xf32, #tpu.memory_space<vmem>>
      %dma_wait3A_671 = tpu.memref_squeeze %dma_wait3A_670 : memref<1x72x32xf32, #tpu.memory_space<vmem>> -> memref<72x32xf32, #tpu.memory_space<vmem>>
      %dma_wait3A_672 = arith.constant 128 : i32
      %dma_wait3A_673 = tpu.memref_slice %arg5[%add3A_655, %dma_wait3A_672] : memref<128x200xi32, #tpu.memory_space<vmem>> -> memref<1x72xi32, #tpu.memory_space<vmem>>
      %dma_wait3A_674 = tpu.memref_squeeze %dma_wait3A_673 : memref<1x72xi32, #tpu.memory_space<vmem>> -> memref<72xi32, #tpu.memory_space<vmem>>
      %dma_wait3A_675 = arith.constant 0 : i32
      %dma_wait3A_676 = arith.constant 0 : i32
      %dma_wait3A_677 = tpu.memref_slice %arg3[%dma_wait3A_675, %dma_wait3A_676] : memref<1000000x32xf32, #tpu.memory_space<hbm>> -> memref<1000000x32xf32, #tpu.memory_space<hbm>>
      tpu.wait_indirect_dma semaphore(%arg11 : memref<!tpu.dma_semaphore, #tpu.memory_space<semaphore_mem>>) src(%dma_wait3A_677 : memref<1000000x32xf32, #tpu.memory_space<hbm>>) dst(%dma_wait3A_671 : memref<72x32xf32, #tpu.memory_space<vmem>>)
      %broadcast_in_dim3A_678 = arith.constant 0.000000e+00 : f32
      %broadcast_in_dim3A_679 = vector.broadcast %broadcast_in_dim3A_678 : f32 to vector<16xf32>
      %scan3A_680 = arith.constant 0 : i32
      %scan3A_681 = arith.constant 96 : i32
      %scan3A_682 = arith.addi %scan3A_680, %scan3A_681 : i32
      %scan3A_683 = arith.constant 8 : i32
      %scan3A_684:4 = scf.for %scan3A_837 = %scan3A_680 to %scan3A_682 step %scan3A_683 iter_args(%scan3A_838 = %broadcast_in_dim3A_679, %scan3A_839 = %broadcast_in_dim3A_679, %scan3A_840 = %broadcast_in_dim3A_679, %scan3A_841 = %broadcast_in_dim3A_679) -> (vector<16xf32>, vector<16xf32>, vector<16xf32>, vector<16xf32>)  : i32 {
        %mul3A_842 = arith.constant 2 : i32
        %mul3A_843 = arith.muli %mul3A_842, %scan3A_837 : i32
        %add3A_844 = arith.constant 0 : i32
        %add3A_845 = arith.addi %mul3A_843, %add3A_844 : i32
        %get3A_846 = arith.constant 3 : i32
        %get3A_847 = arith.index_cast %get3A_846 : i32 to index
        %get3A_848 = arith.index_cast %add3A_845 : i32 to index
        %get3A_849 = arith.constant 0 : index
        %get3A_850 = tpu.vector_load %arg6[%get3A_847, %get3A_848, %get3A_849] {strides = array<i32>} : memref<4x200x32xf32, #tpu.memory_space<vmem>>, vector<16xf32>,
        %add3A_851 = arith.addf %scan3A_838, %get3A_850 : vector<16xf32>
        %get3A_852 = arith.constant 3 : i32
        %get3A_853 = arith.index_cast %get3A_852 : i32 to index
        %get3A_854 = arith.index_cast %add3A_845 : i32 to index
        %get3A_855 = arith.constant 16 : index
        %get3A_856 = tpu.vector_load %arg6[%get3A_853, %get3A_854, %get3A_855] {strides = array<i32>} : memref<4x200x32xf32, #tpu.memory_space<vmem>>, vector<16xf32>,
        %add3A_857 = arith.addf %scan3A_839, %get3A_856 : vector<16xf32>
        %mul3A_858 = arith.constant 2 : i32
        %mul3A_859 = arith.muli %mul3A_858, %scan3A_837 : i32
        %add3A_860 = arith.constant 1 : i32
        %add3A_861 = arith.addi %mul3A_859, %add3A_860 : i32
        %get3A_862 = arith.constant 3 : i32
        %get3A_863 = arith.index_cast %get3A_862 : i32 to index
        %get3A_864 = arith.index_cast %add3A_861 : i32 to index
        %get3A_865 = arith.constant 0 : index
        %get3A_866 = tpu.vector_load %arg6[%get3A_863, %get3A_864, %get3A_865] {strides = array<i32>} : memref<4x200x32xf32, #tpu.memory_space<vmem>>, vector<16xf32>,
        %add3A_867 = arith.addf %scan3A_840, %get3A_866 : vector<16xf32>
        %get3A_868 = arith.constant 3 : i32
        %get3A_869 = arith.index_cast %get3A_868 : i32 to index
        %get3A_870 = arith.index_cast %add3A_861 : i32 to index
        %get3A_871 = arith.constant 16 : index
        %get3A_872 = tpu.vector_load %arg6[%get3A_869, %get3A_870, %get3A_871] {strides = array<i32>} : memref<4x200x32xf32, #tpu.memory_space<vmem>>, vector<16xf32>,
        %add3A_873 = arith.addf %scan3A_841, %get3A_872 : vector<16xf32>
        %scan3A_874 = arith.constant 1 : i32
        %scan3A_875 = arith.addi %scan3A_837, %scan3A_874 : i32
        %mul3A_876 = arith.constant 2 : i32
        %mul3A_877 = arith.muli %mul3A_876, %scan3A_875 : i32
        %add3A_878 = arith.constant 0 : i32
        %add3A_879 = arith.addi %mul3A_877, %add3A_878 : i32
        %get3A_880 = arith.constant 3 : i32
        %get3A_881 = arith.index_cast %get3A_880 : i32 to index
        %get3A_882 = arith.index_cast %add3A_879 : i32 to index
        %get3A_883 = arith.constant 0 : index
        %get3A_884 = tpu.vector_load %arg6[%get3A_881, %get3A_882, %get3A_883] {strides = array<i32>} : memref<4x200x32xf32, #tpu.memory_space<vmem>>, vector<16xf32>,
        %add3A_885 = arith.addf %add3A_851, %get3A_884 : vector<16xf32>
        %get3A_886 = arith.constant 3 : i32
        %get3A_887 = arith.index_cast %get3A_886 : i32 to index
        %get3A_888 = arith.index_cast %add3A_879 : i32 to index
        %get3A_889 = arith.constant 16 : index
        %get3A_890 = tpu.vector_load %arg6[%get3A_887, %get3A_888, %get3A_889] {strides = array<i32>} : memref<4x200x32xf32, #tpu.memory_space<vmem>>, vector<16xf32>,
        %add3A_891 = arith.addf %add3A_857, %get3A_890 : vector<16xf32>
        %mul3A_892 = arith.constant 2 : i32
        %mul3A_893 = arith.muli %mul3A_892, %scan3A_875 : i32
        %add3A_894 = arith.constant 1 : i32
        %add3A_895 = arith.addi %mul3A_893, %add3A_894 : i32
        %get3A_896 = arith.constant 3 : i32
        %get3A_897 = arith.index_cast %get3A_896 : i32 to index
        %get3A_898 = arith.index_cast %add3A_895 : i32 to index
        %get3A_899 = arith.constant 0 : index
        %get3A_900 = tpu.vector_load %arg6[%get3A_897, %get3A_898, %get3A_899] {strides = array<i32>} : memref<4x200x32xf32, #tpu.memory_space<vmem>>, vector<16xf32>,
        %add3A_901 = arith.addf %add3A_867, %get3A_900 : vector<16xf32>
        %get3A_902 = arith.constant 3 : i32
        %get3A_903 = arith.index_cast %get3A_902 : i32 to index
        %get3A_904 = arith.index_cast %add3A_895 : i32 to index
        %get3A_905 = arith.constant 16 : index
        %get3A_906 = tpu.vector_load %arg6[%get3A_903, %get3A_904, %get3A_905] {strides = array<i32>} : memref<4x200x32xf32, #tpu.memory_space<vmem>>, vector<16xf32>,
        %add3A_907 = arith.addf %add3A_873, %get3A_906 : vector<16xf32>
        %scan3A_908 = arith.constant 2 : i32
        %scan3A_909 = arith.addi %scan3A_837, %scan3A_908 : i32
        %mul3A_910 = arith.constant 2 : i32
        %mul3A_911 = arith.muli %mul3A_910, %scan3A_909 : i32
        %add3A_912 = arith.constant 0 : i32
        %add3A_913 = arith.addi %mul3A_911, %add3A_912 : i32
        %get3A_914 = arith.constant 3 : i32
        %get3A_915 = arith.index_cast %get3A_914 : i32 to index
        %get3A_916 = arith.index_cast %add3A_913 : i32 to index
        %get3A_917 = arith.constant 0 : index
        %get3A_918 = tpu.vector_load %arg6[%get3A_915, %get3A_916, %get3A_917] {strides = array<i32>} : memref<4x200x32xf32, #tpu.memory_space<vmem>>, vector<16xf32>,
        %add3A_919 = arith.addf %add3A_885, %get3A_918 : vector<16xf32>
        %get3A_920 = arith.constant 3 : i32
        %get3A_921 = arith.index_cast %get3A_920 : i32 to index
        %get3A_922 = arith.index_cast %add3A_913 : i32 to index
        %get3A_923 = arith.constant 16 : index
        %get3A_924 = tpu.vector_load %arg6[%get3A_921, %get3A_922, %get3A_923] {strides = array<i32>} : memref<4x200x32xf32, #tpu.memory_space<vmem>>, vector<16xf32>,
        %add3A_925 = arith.addf %add3A_891, %get3A_924 : vector<16xf32>
        %mul3A_926 = arith.constant 2 : i32
        %mul3A_927 = arith.muli %mul3A_926, %scan3A_909 : i32
        %add3A_928 = arith.constant 1 : i32
        %add3A_929 = arith.addi %mul3A_927, %add3A_928 : i32
        %get3A_930 = arith.constant 3 : i32
        %get3A_931 = arith.index_cast %get3A_930 : i32 to index
        %get3A_932 = arith.index_cast %add3A_929 : i32 to index
        %get3A_933 = arith.constant 0 : index
        %get3A_934 = tpu.vector_load %arg6[%get3A_931, %get3A_932, %get3A_933] {strides = array<i32>} : memref<4x200x32xf32, #tpu.memory_space<vmem>>, vector<16xf32>,
        %add3A_935 = arith.addf %add3A_901, %get3A_934 : vector<16xf32>
        %get3A_936 = arith.constant 3 : i32
        %get3A_937 = arith.index_cast %get3A_936 : i32 to index
        %get3A_938 = arith.index_cast %add3A_929 : i32 to index
        %get3A_939 = arith.constant 16 : index
        %get3A_940 = tpu.vector_load %arg6[%get3A_937, %get3A_938, %get3A_939] {strides = array<i32>} : memref<4x200x32xf32, #tpu.memory_space<vmem>>, vector<16xf32>,
        %add3A_941 = arith.addf %add3A_907, %get3A_940 : vector<16xf32>
        %scan3A_942 = arith.constant 3 : i32
        %scan3A_943 = arith.addi %scan3A_837, %scan3A_942 : i32
        %mul3A_944 = arith.constant 2 : i32
        %mul3A_945 = arith.muli %mul3A_944, %scan3A_943 : i32
        %add3A_946 = arith.constant 0 : i32
        %add3A_947 = arith.addi %mul3A_945, %add3A_946 : i32
        %get3A_948 = arith.constant 3 : i32
        %get3A_949 = arith.index_cast %get3A_948 : i32 to index
        %get3A_950 = arith.index_cast %add3A_947 : i32 to index
        %get3A_951 = arith.constant 0 : index
        %get3A_952 = tpu.vector_load %arg6[%get3A_949, %get3A_950, %get3A_951] {strides = array<i32>} : memref<4x200x32xf32, #tpu.memory_space<vmem>>, vector<16xf32>,
        %add3A_953 = arith.addf %add3A_919, %get3A_952 : vector<16xf32>
        %get3A_954 = arith.constant 3 : i32
        %get3A_955 = arith.index_cast %get3A_954 : i32 to index
        %get3A_956 = arith.index_cast %add3A_947 : i32 to index
        %get3A_957 = arith.constant 16 : index
        %get3A_958 = tpu.vector_load %arg6[%get3A_955, %get3A_956, %get3A_957] {strides = array<i32>} : memref<4x200x32xf32, #tpu.memory_space<vmem>>, vector<16xf32>,
        %add3A_959 = arith.addf %add3A_925, %get3A_958 : vector<16xf32>
        %mul3A_960 = arith.constant 2 : i32
        %mul3A_961 = arith.muli %mul3A_960, %scan3A_943 : i32
        %add3A_962 = arith.constant 1 : i32
        %add3A_963 = arith.addi %mul3A_961, %add3A_962 : i32
        %get3A_964 = arith.constant 3 : i32
        %get3A_965 = arith.index_cast %get3A_964 : i32 to index
        %get3A_966 = arith.index_cast %add3A_963 : i32 to index
        %get3A_967 = arith.constant 0 : index
        %get3A_968 = tpu.vector_load %arg6[%get3A_965, %get3A_966, %get3A_967] {strides = array<i32>} : memref<4x200x32xf32, #tpu.memory_space<vmem>>, vector<16xf32>,
        %add3A_969 = arith.addf %add3A_935, %get3A_968 : vector<16xf32>
        %get3A_970 = arith.constant 3 : i32
        %get3A_971 = arith.index_cast %get3A_970 : i32 to index
        %get3A_972 = arith.index_cast %add3A_963 : i32 to index
        %get3A_973 = arith.constant 16 : index
        %get3A_974 = tpu.vector_load %arg6[%get3A_971, %get3A_972, %get3A_973] {strides = array<i32>} : memref<4x200x32xf32, #tpu.memory_space<vmem>>, vector<16xf32>,
        %add3A_975 = arith.addf %add3A_941, %get3A_974 : vector<16xf32>
        %scan3A_976 = arith.constant 4 : i32
        %scan3A_977 = arith.addi %scan3A_837, %scan3A_976 : i32
        %mul3A_978 = arith.constant 2 : i32
        %mul3A_979 = arith.muli %mul3A_978, %scan3A_977 : i32
        %add3A_980 = arith.constant 0 : i32
        %add3A_981 = arith.addi %mul3A_979, %add3A_980 : i32
        %get3A_982 = arith.constant 3 : i32
        %get3A_983 = arith.index_cast %get3A_982 : i32 to index
        %get3A_984 = arith.index_cast %add3A_981 : i32 to index
        %get3A_985 = arith.constant 0 : index
        %get3A_986 = tpu.vector_load %arg6[%get3A_983, %get3A_984, %get3A_985] {strides = array<i32>} : memref<4x200x32xf32, #tpu.memory_space<vmem>>, vector<16xf32>,
        %add3A_987 = arith.addf %add3A_953, %get3A_986 : vector<16xf32>
        %get3A_988 = arith.constant 3 : i32
        %get3A_989 = arith.index_cast %get3A_988 : i32 to index
        %get3A_990 = arith.index_cast %add3A_981 : i32 to index
        %get3A_991 = arith.constant 16 : index
        %get3A_992 = tpu.vector_load %arg6[%get3A_989, %get3A_990, %get3A_991] {strides = array<i32>} : memref<4x200x32xf32, #tpu.memory_space<vmem>>, vector<16xf32>,
        %add3A_993 = arith.addf %add3A_959, %get3A_992 : vector<16xf32>
        %mul3A_994 = arith.constant 2 : i32
        %mul3A_995 = arith.muli %mul3A_994, %scan3A_977 : i32
        %add3A_996 = arith.constant 1 : i32
        %add3A_997 = arith.addi %mul3A_995, %add3A_996 : i32
        %get3A_998 = arith.constant 3 : i32
        %get3A_999 = arith.index_cast %get3A_998 : i32 to index
        %get3A_1000 = arith.index_cast %add3A_997 : i32 to index
        %get3A_1001 = arith.constant 0 : index
        %get3A_1002 = tpu.vector_load %arg6[%get3A_999, %get3A_1000, %get3A_1001] {strides = array<i32>} : memref<4x200x32xf32, #tpu.memory_space<vmem>>, vector<16xf32>,
        %add3A_1003 = arith.addf %add3A_969, %get3A_1002 : vector<16xf32>
        %get3A_1004 = arith.constant 3 : i32
        %get3A_1005 = arith.index_cast %get3A_1004 : i32 to index
        %get3A_1006 = arith.index_cast %add3A_997 : i32 to index
        %get3A_1007 = arith.constant 16 : index
        %get3A_1008 = tpu.vector_load %arg6[%get3A_1005, %get3A_1006, %get3A_1007] {strides = array<i32>} : memref<4x200x32xf32, #tpu.memory_space<vmem>>, vector<16xf32>,
        %add3A_1009 = arith.addf %add3A_975, %get3A_1008 : vector<16xf32>
        %scan3A_1010 = arith.constant 5 : i32
        %scan3A_1011 = arith.addi %scan3A_837, %scan3A_1010 : i32
        %mul3A_1012 = arith.constant 2 : i32
        %mul3A_1013 = arith.muli %mul3A_1012, %scan3A_1011 : i32
        %add3A_1014 = arith.constant 0 : i32
        %add3A_1015 = arith.addi %mul3A_1013, %add3A_1014 : i32
        %get3A_1016 = arith.constant 3 : i32
        %get3A_1017 = arith.index_cast %get3A_1016 : i32 to index
        %get3A_1018 = arith.index_cast %add3A_1015 : i32 to index
        %get3A_1019 = arith.constant 0 : index
        %get3A_1020 = tpu.vector_load %arg6[%get3A_1017, %get3A_1018, %get3A_1019] {strides = array<i32>} : memref<4x200x32xf32, #tpu.memory_space<vmem>>, vector<16xf32>,
        %add3A_1021 = arith.addf %add3A_987, %get3A_1020 : vector<16xf32>
        %get3A_1022 = arith.constant 3 : i32
        %get3A_1023 = arith.index_cast %get3A_1022 : i32 to index
        %get3A_1024 = arith.index_cast %add3A_1015 : i32 to index
        %get3A_1025 = arith.constant 16 : index
        %get3A_1026 = tpu.vector_load %arg6[%get3A_1023, %get3A_1024, %get3A_1025] {strides = array<i32>} : memref<4x200x32xf32, #tpu.memory_space<vmem>>, vector<16xf32>,
        %add3A_1027 = arith.addf %add3A_993, %get3A_1026 : vector<16xf32>
        %mul3A_1028 = arith.constant 2 : i32
        %mul3A_1029 = arith.muli %mul3A_1028, %scan3A_1011 : i32
        %add3A_1030 = arith.constant 1 : i32
        %add3A_1031 = arith.addi %mul3A_1029, %add3A_1030 : i32
        %get3A_1032 = arith.constant 3 : i32
        %get3A_1033 = arith.index_cast %get3A_1032 : i32 to index
        %get3A_1034 = arith.index_cast %add3A_1031 : i32 to index
        %get3A_1035 = arith.constant 0 : index
        %get3A_1036 = tpu.vector_load %arg6[%get3A_1033, %get3A_1034, %get3A_1035] {strides = array<i32>} : memref<4x200x32xf32, #tpu.memory_space<vmem>>, vector<16xf32>,
        %add3A_1037 = arith.addf %add3A_1003, %get3A_1036 : vector<16xf32>
        %get3A_1038 = arith.constant 3 : i32
        %get3A_1039 = arith.index_cast %get3A_1038 : i32 to index
        %get3A_1040 = arith.index_cast %add3A_1031 : i32 to index
        %get3A_1041 = arith.constant 16 : index
        %get3A_1042 = tpu.vector_load %arg6[%get3A_1039, %get3A_1040, %get3A_1041] {strides = array<i32>} : memref<4x200x32xf32, #tpu.memory_space<vmem>>, vector<16xf32>,
        %add3A_1043 = arith.addf %add3A_1009, %get3A_1042 : vector<16xf32>
        %scan3A_1044 = arith.constant 6 : i32
        %scan3A_1045 = arith.addi %scan3A_837, %scan3A_1044 : i32
        %mul3A_1046 = arith.constant 2 : i32
        %mul3A_1047 = arith.muli %mul3A_1046, %scan3A_1045 : i32
        %add3A_1048 = arith.constant 0 : i32
        %add3A_1049 = arith.addi %mul3A_1047, %add3A_1048 : i32
        %get3A_1050 = arith.constant 3 : i32
        %get3A_1051 = arith.index_cast %get3A_1050 : i32 to index
        %get3A_1052 = arith.index_cast %add3A_1049 : i32 to index
        %get3A_1053 = arith.constant 0 : index
        %get3A_1054 = tpu.vector_load %arg6[%get3A_1051, %get3A_1052, %get3A_1053] {strides = array<i32>} : memref<4x200x32xf32, #tpu.memory_space<vmem>>, vector<16xf32>,
        %add3A_1055 = arith.addf %add3A_1021, %get3A_1054 : vector<16xf32>
        %get3A_1056 = arith.constant 3 : i32
        %get3A_1057 = arith.index_cast %get3A_1056 : i32 to index
        %get3A_1058 = arith.index_cast %add3A_1049 : i32 to index
        %get3A_1059 = arith.constant 16 : index
        %get3A_1060 = tpu.vector_load %arg6[%get3A_1057, %get3A_1058, %get3A_1059] {strides = array<i32>} : memref<4x200x32xf32, #tpu.memory_space<vmem>>, vector<16xf32>,
        %add3A_1061 = arith.addf %add3A_1027, %get3A_1060 : vector<16xf32>
        %mul3A_1062 = arith.constant 2 : i32
        %mul3A_1063 = arith.muli %mul3A_1062, %scan3A_1045 : i32
        %add3A_1064 = arith.constant 1 : i32
        %add3A_1065 = arith.addi %mul3A_1063, %add3A_1064 : i32
        %get3A_1066 = arith.constant 3 : i32
        %get3A_1067 = arith.index_cast %get3A_1066 : i32 to index
        %get3A_1068 = arith.index_cast %add3A_1065 : i32 to index
        %get3A_1069 = arith.constant 0 : index
        %get3A_1070 = tpu.vector_load %arg6[%get3A_1067, %get3A_1068, %get3A_1069] {strides = array<i32>} : memref<4x200x32xf32, #tpu.memory_space<vmem>>, vector<16xf32>,
        %add3A_1071 = arith.addf %add3A_1037, %get3A_1070 : vector<16xf32>
        %get3A_1072 = arith.constant 3 : i32
        %get3A_1073 = arith.index_cast %get3A_1072 : i32 to index
        %get3A_1074 = arith.index_cast %add3A_1065 : i32 to index
        %get3A_1075 = arith.constant 16 : index
        %get3A_1076 = tpu.vector_load %arg6[%get3A_1073, %get3A_1074, %get3A_1075] {strides = array<i32>} : memref<4x200x32xf32, #tpu.memory_space<vmem>>, vector<16xf32>,
        %add3A_1077 = arith.addf %add3A_1043, %get3A_1076 : vector<16xf32>
        %scan3A_1078 = arith.constant 7 : i32
        %scan3A_1079 = arith.addi %scan3A_837, %scan3A_1078 : i32
        %mul3A_1080 = arith.constant 2 : i32
        %mul3A_1081 = arith.muli %mul3A_1080, %scan3A_1079 : i32
        %add3A_1082 = arith.constant 0 : i32
        %add3A_1083 = arith.addi %mul3A_1081, %add3A_1082 : i32
        %get3A_1084 = arith.constant 3 : i32
        %get3A_1085 = arith.index_cast %get3A_1084 : i32 to index
        %get3A_1086 = arith.index_cast %add3A_1083 : i32 to index
        %get3A_1087 = arith.constant 0 : index
        %get3A_1088 = tpu.vector_load %arg6[%get3A_1085, %get3A_1086, %get3A_1087] {strides = array<i32>} : memref<4x200x32xf32, #tpu.memory_space<vmem>>, vector<16xf32>,
        %add3A_1089 = arith.addf %add3A_1055, %get3A_1088 : vector<16xf32>
        %get3A_1090 = arith.constant 3 : i32
        %get3A_1091 = arith.index_cast %get3A_1090 : i32 to index
        %get3A_1092 = arith.index_cast %add3A_1083 : i32 to index
        %get3A_1093 = arith.constant 16 : index
        %get3A_1094 = tpu.vector_load %arg6[%get3A_1091, %get3A_1092, %get3A_1093] {strides = array<i32>} : memref<4x200x32xf32, #tpu.memory_space<vmem>>, vector<16xf32>,
        %add3A_1095 = arith.addf %add3A_1061, %get3A_1094 : vector<16xf32>
        %mul3A_1096 = arith.constant 2 : i32
        %mul3A_1097 = arith.muli %mul3A_1096, %scan3A_1079 : i32
        %add3A_1098 = arith.constant 1 : i32
        %add3A_1099 = arith.addi %mul3A_1097, %add3A_1098 : i32
        %get3A_1100 = arith.constant 3 : i32
        %get3A_1101 = arith.index_cast %get3A_1100 : i32 to index
        %get3A_1102 = arith.index_cast %add3A_1099 : i32 to index
        %get3A_1103 = arith.constant 0 : index
        %get3A_1104 = tpu.vector_load %arg6[%get3A_1101, %get3A_1102, %get3A_1103] {strides = array<i32>} : memref<4x200x32xf32, #tpu.memory_space<vmem>>, vector<16xf32>,
        %add3A_1105 = arith.addf %add3A_1071, %get3A_1104 : vector<16xf32>
        %get3A_1106 = arith.constant 3 : i32
        %get3A_1107 = arith.index_cast %get3A_1106 : i32 to index
        %get3A_1108 = arith.index_cast %add3A_1099 : i32 to index
        %get3A_1109 = arith.constant 16 : index
        %get3A_1110 = tpu.vector_load %arg6[%get3A_1107, %get3A_1108, %get3A_1109] {strides = array<i32>} : memref<4x200x32xf32, #tpu.memory_space<vmem>>, vector<16xf32>,
        %add3A_1111 = arith.addf %add3A_1077, %get3A_1110 : vector<16xf32>
        scf.yield %add3A_1089, %add3A_1095, %add3A_1105, %add3A_1111 : vector<16xf32>, vector<16xf32>, vector<16xf32>, vector<16xf32>
      }
      %scan3A_685 = arith.constant 96 : i32
      %scan3A_686 = arith.addi %scan3A_680, %scan3A_685 : i32
      %mul3A_687 = arith.constant 2 : i32
      %mul3A_688 = arith.muli %mul3A_687, %scan3A_686 : i32
      %add3A_689 = arith.constant 0 : i32
      %add3A_690 = arith.addi %mul3A_688, %add3A_689 : i32
      %get3A_691 = arith.constant 3 : i32
      %get3A_692 = arith.index_cast %get3A_691 : i32 to index
      %get3A_693 = arith.index_cast %add3A_690 : i32 to index
      %get3A_694 = arith.constant 0 : index
      %get3A_695 = tpu.vector_load %arg6[%get3A_692, %get3A_693, %get3A_694] {strides = array<i32>} : memref<4x200x32xf32, #tpu.memory_space<vmem>>, vector<16xf32>,
      %add3A_696 = arith.addf %scan3A_684#0, %get3A_695 : vector<16xf32>
      %get3A_697 = arith.constant 3 : i32
      %get3A_698 = arith.index_cast %get3A_697 : i32 to index
      %get3A_699 = arith.index_cast %add3A_690 : i32 to index
      %get3A_700 = arith.constant 16 : index
      %get3A_701 = tpu.vector_load %arg6[%get3A_698, %get3A_699, %get3A_700] {strides = array<i32>} : memref<4x200x32xf32, #tpu.memory_space<vmem>>, vector<16xf32>,
      %add3A_702 = arith.addf %scan3A_684#1, %get3A_701 : vector<16xf32>
      %mul3A_703 = arith.constant 2 : i32
      %mul3A_704 = arith.muli %mul3A_703, %scan3A_686 : i32
      %add3A_705 = arith.constant 1 : i32
      %add3A_706 = arith.addi %mul3A_704, %add3A_705 : i32
      %get3A_707 = arith.constant 3 : i32
      %get3A_708 = arith.index_cast %get3A_707 : i32 to index
      %get3A_709 = arith.index_cast %add3A_706 : i32 to index
      %get3A_710 = arith.constant 0 : index
      %get3A_711 = tpu.vector_load %arg6[%get3A_708, %get3A_709, %get3A_710] {strides = array<i32>} : memref<4x200x32xf32, #tpu.memory_space<vmem>>, vector<16xf32>,
      %add3A_712 = arith.addf %scan3A_684#2, %get3A_711 : vector<16xf32>
      %get3A_713 = arith.constant 3 : i32
      %get3A_714 = arith.index_cast %get3A_713 : i32 to index
      %get3A_715 = arith.index_cast %add3A_706 : i32 to index
      %get3A_716 = arith.constant 16 : index
      %get3A_717 = tpu.vector_load %arg6[%get3A_714, %get3A_715, %get3A_716] {strides = array<i32>} : memref<4x200x32xf32, #tpu.memory_space<vmem>>, vector<16xf32>,
      %add3A_718 = arith.addf %scan3A_684#3, %get3A_717 : vector<16xf32>
      %scan3A_719 = arith.constant 97 : i32
      %scan3A_720 = arith.addi %scan3A_680, %scan3A_719 : i32
      %mul3A_721 = arith.constant 2 : i32
      %mul3A_722 = arith.muli %mul3A_721, %scan3A_720 : i32
      %add3A_723 = arith.constant 0 : i32
      %add3A_724 = arith.addi %mul3A_722, %add3A_723 : i32
      %get3A_725 = arith.constant 3 : i32
      %get3A_726 = arith.index_cast %get3A_725 : i32 to index
      %get3A_727 = arith.index_cast %add3A_724 : i32 to index
      %get3A_728 = arith.constant 0 : index
      %get3A_729 = tpu.vector_load %arg6[%get3A_726, %get3A_727, %get3A_728] {strides = array<i32>} : memref<4x200x32xf32, #tpu.memory_space<vmem>>, vector<16xf32>,
      %add3A_730 = arith.addf %add3A_696, %get3A_729 : vector<16xf32>
      %get3A_731 = arith.constant 3 : i32
      %get3A_732 = arith.index_cast %get3A_731 : i32 to index
      %get3A_733 = arith.index_cast %add3A_724 : i32 to index
      %get3A_734 = arith.constant 16 : index
      %get3A_735 = tpu.vector_load %arg6[%get3A_732, %get3A_733, %get3A_734] {strides = array<i32>} : memref<4x200x32xf32, #tpu.memory_space<vmem>>, vector<16xf32>,
      %add3A_736 = arith.addf %add3A_702, %get3A_735 : vector<16xf32>
      %mul3A_737 = arith.constant 2 : i32
      %mul3A_738 = arith.muli %mul3A_737, %scan3A_720 : i32
      %add3A_739 = arith.constant 1 : i32
      %add3A_740 = arith.addi %mul3A_738, %add3A_739 : i32
      %get3A_741 = arith.constant 3 : i32
      %get3A_742 = arith.index_cast %get3A_741 : i32 to index
      %get3A_743 = arith.index_cast %add3A_740 : i32 to index
      %get3A_744 = arith.constant 0 : index
      %get3A_745 = tpu.vector_load %arg6[%get3A_742, %get3A_743, %get3A_744] {strides = array<i32>} : memref<4x200x32xf32, #tpu.memory_space<vmem>>, vector<16xf32>,
      %add3A_746 = arith.addf %add3A_712, %get3A_745 : vector<16xf32>
      %get3A_747 = arith.constant 3 : i32
      %get3A_748 = arith.index_cast %get3A_747 : i32 to index
      %get3A_749 = arith.index_cast %add3A_740 : i32 to index
      %get3A_750 = arith.constant 16 : index
      %get3A_751 = tpu.vector_load %arg6[%get3A_748, %get3A_749, %get3A_750] {strides = array<i32>} : memref<4x200x32xf32, #tpu.memory_space<vmem>>, vector<16xf32>,
      %add3A_752 = arith.addf %add3A_718, %get3A_751 : vector<16xf32>
      %scan3A_753 = arith.constant 98 : i32
      %scan3A_754 = arith.addi %scan3A_680, %scan3A_753 : i32
      %mul3A_755 = arith.constant 2 : i32
      %mul3A_756 = arith.muli %mul3A_755, %scan3A_754 : i32
      %add3A_757 = arith.constant 0 : i32
      %add3A_758 = arith.addi %mul3A_756, %add3A_757 : i32
      %get3A_759 = arith.constant 3 : i32
      %get3A_760 = arith.index_cast %get3A_759 : i32 to index
      %get3A_761 = arith.index_cast %add3A_758 : i32 to index
      %get3A_762 = arith.constant 0 : index
      %get3A_763 = tpu.vector_load %arg6[%get3A_760, %get3A_761, %get3A_762] {strides = array<i32>} : memref<4x200x32xf32, #tpu.memory_space<vmem>>, vector<16xf32>,
      %add3A_764 = arith.addf %add3A_730, %get3A_763 : vector<16xf32>
      %get3A_765 = arith.constant 3 : i32
      %get3A_766 = arith.index_cast %get3A_765 : i32 to index
      %get3A_767 = arith.index_cast %add3A_758 : i32 to index
      %get3A_768 = arith.constant 16 : index
      %get3A_769 = tpu.vector_load %arg6[%get3A_766, %get3A_767, %get3A_768] {strides = array<i32>} : memref<4x200x32xf32, #tpu.memory_space<vmem>>, vector<16xf32>,
      %add3A_770 = arith.addf %add3A_736, %get3A_769 : vector<16xf32>
      %mul3A_771 = arith.constant 2 : i32
      %mul3A_772 = arith.muli %mul3A_771, %scan3A_754 : i32
      %add3A_773 = arith.constant 1 : i32
      %add3A_774 = arith.addi %mul3A_772, %add3A_773 : i32
      %get3A_775 = arith.constant 3 : i32
      %get3A_776 = arith.index_cast %get3A_775 : i32 to index
      %get3A_777 = arith.index_cast %add3A_774 : i32 to index
      %get3A_778 = arith.constant 0 : index
      %get3A_779 = tpu.vector_load %arg6[%get3A_776, %get3A_777, %get3A_778] {strides = array<i32>} : memref<4x200x32xf32, #tpu.memory_space<vmem>>, vector<16xf32>,
      %add3A_780 = arith.addf %add3A_746, %get3A_779 : vector<16xf32>
      %get3A_781 = arith.constant 3 : i32
      %get3A_782 = arith.index_cast %get3A_781 : i32 to index
      %get3A_783 = arith.index_cast %add3A_774 : i32 to index
      %get3A_784 = arith.constant 16 : index
      %get3A_785 = tpu.vector_load %arg6[%get3A_782, %get3A_783, %get3A_784] {strides = array<i32>} : memref<4x200x32xf32, #tpu.memory_space<vmem>>, vector<16xf32>,
      %add3A_786 = arith.addf %add3A_752, %get3A_785 : vector<16xf32>
      %scan3A_787 = arith.constant 99 : i32
      %scan3A_788 = arith.addi %scan3A_680, %scan3A_787 : i32
      %mul3A_789 = arith.constant 2 : i32
      %mul3A_790 = arith.muli %mul3A_789, %scan3A_788 : i32
      %add3A_791 = arith.constant 0 : i32
      %add3A_792 = arith.addi %mul3A_790, %add3A_791 : i32
      %get3A_793 = arith.constant 3 : i32
      %get3A_794 = arith.index_cast %get3A_793 : i32 to index
      %get3A_795 = arith.index_cast %add3A_792 : i32 to index
      %get3A_796 = arith.constant 0 : index
      %get3A_797 = tpu.vector_load %arg6[%get3A_794, %get3A_795, %get3A_796] {strides = array<i32>} : memref<4x200x32xf32, #tpu.memory_space<vmem>>, vector<16xf32>,
      %add3A_798 = arith.addf %add3A_764, %get3A_797 : vector<16xf32>
      %get3A_799 = arith.constant 3 : i32
      %get3A_800 = arith.index_cast %get3A_799 : i32 to index
      %get3A_801 = arith.index_cast %add3A_792 : i32 to index
      %get3A_802 = arith.constant 16 : index
      %get3A_803 = tpu.vector_load %arg6[%get3A_800, %get3A_801, %get3A_802] {strides = array<i32>} : memref<4x200x32xf32, #tpu.memory_space<vmem>>, vector<16xf32>,
      %add3A_804 = arith.addf %add3A_770, %get3A_803 : vector<16xf32>
      %mul3A_805 = arith.constant 2 : i32
      %mul3A_806 = arith.muli %mul3A_805, %scan3A_788 : i32
      %add3A_807 = arith.constant 1 : i32
      %add3A_808 = arith.addi %mul3A_806, %add3A_807 : i32
      %get3A_809 = arith.constant 3 : i32
      %get3A_810 = arith.index_cast %get3A_809 : i32 to index
      %get3A_811 = arith.index_cast %add3A_808 : i32 to index
      %get3A_812 = arith.constant 0 : index
      %get3A_813 = tpu.vector_load %arg6[%get3A_810, %get3A_811, %get3A_812] {strides = array<i32>} : memref<4x200x32xf32, #tpu.memory_space<vmem>>, vector<16xf32>,
      %add3A_814 = arith.addf %add3A_780, %get3A_813 : vector<16xf32>
      %get3A_815 = arith.constant 3 : i32
      %get3A_816 = arith.index_cast %get3A_815 : i32 to index
      %get3A_817 = arith.index_cast %add3A_808 : i32 to index
      %get3A_818 = arith.constant 16 : index
      %get3A_819 = tpu.vector_load %arg6[%get3A_816, %get3A_817, %get3A_818] {strides = array<i32>} : memref<4x200x32xf32, #tpu.memory_space<vmem>>, vector<16xf32>,
      %add3A_820 = arith.addf %add3A_786, %get3A_819 : vector<16xf32>
      %scan3A_821 = arith.constant 100 : i32
      %add3A_822 = arith.addf %add3A_798, %add3A_814 : vector<16xf32>
      %swap3A_823 = arith.index_cast %add3A_655 : i32 to index
      %swap3A_824 = arith.constant 0 : index
      %swap3A_825 = tpu.vector_load %arg7[%swap3A_823, %swap3A_824] {strides = array<i32>} : memref<128x32xf32, #tpu.memory_space<vmem>>, vector<16xf32>,
      tpu.vector_store %arg7[%swap3A_823, %swap3A_824], %add3A_822 {strides = array<i32>} : memref<128x32xf32, #tpu.memory_space<vmem>>, vector<16xf32>,
      %add3A_826 = arith.addf %add3A_804, %add3A_820 : vector<16xf32>
      %swap3A_827 = arith.index_cast %add3A_655 : i32 to index
      %swap3A_828 = arith.constant 16 : index
      %swap3A_829 = tpu.vector_load %arg7[%swap3A_827, %swap3A_828] {strides = array<i32>} : memref<128x32xf32, #tpu.memory_space<vmem>>, vector<16xf32>,
      tpu.vector_store %arg7[%swap3A_827, %swap3A_828], %add3A_826 {strides = array<i32>} : memref<128x32xf32, #tpu.memory_space<vmem>>, vector<16xf32>,
      %add3A_830 = arith.constant 4 : i32
      %add3A_831 = arith.addi %add3A_655, %add3A_830 : i32
      %lt3A_832 = arith.constant 128 : i32
      %lt3A_833 = arith.cmpi slt, %add3A_831, %lt3A_832 : i32
      %convert_element_type3A_834 = arith.extui %lt3A_833 : i1 to i32
      %cond3A_835 = arith.constant 0 : i32
      %cond3A_836 = arith.cmpi ne, %convert_element_type3A_834, %cond3A_835 : i32
      scf.if %cond3A_836 {
        %add3A_837 = arith.constant 4 : i32
        %add3A_838 = arith.addi %add3A_655, %add3A_837 : i32
        %dma_start3A_839 = arith.constant 3 : i32
        %dma_start3A_840 = arith.constant 0 : i32
        %dma_start3A_841 = arith.constant 0 : i32
        %dma_start3A_842 = tpu.memref_slice %arg6[%dma_start3A_839, %dma_start3A_840, %dma_start3A_841] : memref<4x200x32xf32, #tpu.memory_space<vmem>> -> memref<1x128x32xf32, #tpu.memory_space<vmem>>
        %dma_start3A_843 = tpu.memref_squeeze %dma_start3A_842 : memref<1x128x32xf32, #tpu.memory_space<vmem>> -> memref<128x32xf32, #tpu.memory_space<vmem>>
        %dma_start3A_844 = arith.constant 0 : i32
        %dma_start3A_845 = tpu.memref_slice %arg5[%add3A_838, %dma_start3A_844] : memref<128x200xi32, #tpu.memory_space<vmem>> -> memref<1x128xi32, #tpu.memory_space<vmem>>
        %dma_start3A_846 = tpu.memref_squeeze %dma_start3A_845 : memref<1x128xi32, #tpu.memory_space<vmem>> -> memref<128xi32, #tpu.memory_space<vmem>>
        %dma_start3A_847 = arith.constant 0 : i32
        %dma_start3A_848 = arith.constant 0 : i32
        %dma_start3A_849 = tpu.memref_slice %arg3[%dma_start3A_847, %dma_start3A_848] : memref<1000000x32xf32, #tpu.memory_space<hbm>> -> memref<1000000x32xf32, #tpu.memory_space<hbm>>
        tpu.enqueue_indirect_dma source(%dma_start3A_849 : memref<1000000x32xf32, #tpu.memory_space<hbm>>) target(%dma_start3A_843 : memref<128x32xf32, #tpu.memory_space<vmem>>) offsets(%dma_start3A_846 : memref<128xi32, #tpu.memory_space<vmem>>) semaphore(%arg11 : memref<!tpu.dma_semaphore, #tpu.memory_space<semaphore_mem>>)
        %dma_start3A_850 = arith.constant 3 : i32
        %dma_start3A_851 = arith.constant 128 : i32
        %dma_start3A_852 = arith.constant 0 : i32
        %dma_start3A_853 = tpu.memref_slice %arg6[%dma_start3A_850, %dma_start3A_851, %dma_start3A_852] : memref<4x200x32xf32, #tpu.memory_space<vmem>> -> memref<1x72x32xf32, #tpu.memory_space<vmem>>
        %dma_start3A_854 = tpu.memref_squeeze %dma_start3A_853 : memref<1x72x32xf32, #tpu.memory_space<vmem>> -> memref<72x32xf32, #tpu.memory_space<vmem>>
        %dma_start3A_855 = arith.constant 128 : i32
        %dma_start3A_856 = tpu.memref_slice %arg5[%add3A_838, %dma_start3A_855] : memref<128x200xi32, #tpu.memory_space<vmem>> -> memref<1x72xi32, #tpu.memory_space<vmem>>
        %dma_start3A_857 = tpu.memref_squeeze %dma_start3A_856 : memref<1x72xi32, #tpu.memory_space<vmem>> -> memref<72xi32, #tpu.memory_space<vmem>>
        %dma_start3A_858 = arith.constant 0 : i32
        %dma_start3A_859 = arith.constant 0 : i32
        %dma_start3A_860 = tpu.memref_slice %arg3[%dma_start3A_858, %dma_start3A_859] : memref<1000000x32xf32, #tpu.memory_space<hbm>> -> memref<1000000x32xf32, #tpu.memory_space<hbm>>
        tpu.enqueue_indirect_dma source(%dma_start3A_860 : memref<1000000x32xf32, #tpu.memory_space<hbm>>) target(%dma_start3A_854 : memref<72x32xf32, #tpu.memory_space<vmem>>) offsets(%dma_start3A_857 : memref<72xi32, #tpu.memory_space<vmem>>) semaphore(%arg11 : memref<!tpu.dma_semaphore, #tpu.memory_space<semaphore_mem>>)
      } else {
      }
    }
    %scan3A_102 = arith.constant 32 : i32
    "tpu.region"() ({
      %run_scoped3A = tpu.sem_alloc : memref<!tpu.dma_semaphore, #tpu.memory_space<semaphore_mem>>
      %dma_start3A_103 = arith.constant 0 : i32
      %dma_start3A_104 = tpu.memref_slice %arg4[%mul3A_2, %dma_start3A_103] : memref<4096x32xf32, #tpu.memory_space<hbm>> -> memref<128x32xf32, #tpu.memory_space<hbm>>
      %dma_start3A_105 = arith.constant 0 : i32
      %dma_start3A_106 = tpu.memref_slice %arg4[%mul3A_2, %dma_start3A_105] : memref<4096x32xf32, #tpu.memory_space<hbm>> -> memref<128x32xf32, #tpu.memory_space<hbm>>
      tpu.enqueue_dma source(%arg7 : memref<128x32xf32, #tpu.memory_space<vmem>>) target(%dma_start3A_106 : memref<128x32xf32, #tpu.memory_space<hbm>>) target_semaphore(%run_scoped3A : memref<!tpu.dma_semaphore, #tpu.memory_space<semaphore_mem>>)
      %dma_wait3A = arith.constant 0 : i32
      %dma_wait3A_107 = tpu.memref_slice %arg4[%mul3A_2, %dma_wait3A] : memref<4096x32xf32, #tpu.memory_space<hbm>> -> memref<128x32xf32, #tpu.memory_space<hbm>>
      %dma_wait3A_108 = arith.constant 0 : i32
      %dma_wait3A_109 = tpu.memref_slice %arg4[%mul3A_2, %dma_wait3A_108] : memref<4096x32xf32, #tpu.memory_space<hbm>> -> memref<128x32xf32, #tpu.memory_space<hbm>>
      tpu.wait_dma2 semaphore(%run_scoped3A : memref<!tpu.dma_semaphore, #tpu.memory_space<semaphore_mem>>) src(%arg7 : memref<128x32xf32, #tpu.memory_space<vmem>>) dst(%dma_wait3A_109 : memref<128x32xf32, #tpu.memory_space<hbm>>)
      tpu.yield
    }) : () -> ()
    return
  }
}

module attributes {stable_mosaic.version = 14 : i64} {
  func.func @_mlp_body(%arg0: memref<4096x32xf32, #tpu.memory_space<vmem>>, %arg1: memref<32x32xf32, #tpu.memory_space<vmem>>, %arg2: memref<1x32xf32, #tpu.memory_space<vmem>>, %arg3: memref<32x128xf32, #tpu.memory_space<vmem>>, %arg4: memref<1x128xf32, #tpu.memory_space<vmem>>, %arg5: memref<4096x128xf32, #tpu.memory_space<vmem>>) attributes {dimension_semantics = [], scalar_prefetch = 0 : i64, scratch_operands = 0 : i64, tpu.core_type = #tpu.core_type<tc>} {
    %get3A = arith.constant 0 : index
    %get3A_0 = arith.constant 0 : index
    %get3A_1 = vector.load %arg0[%get3A, %get3A_0] : memref<4096x32xf32, #tpu.memory_space<vmem>>, vector<4096x32xf32>
    %mul3A = arith.constant 5.000000e-03 : f32
    %mul3A_2 = vector.broadcast %mul3A : f32 to vector<4096x32xf32>
    %mul3A_3 = arith.mulf %get3A_1, %mul3A_2 : vector<4096x32xf32>
    %get3A_4 = arith.constant 0 : index
    %get3A_5 = arith.constant 0 : index
    %get3A_6 = vector.load %arg1[%get3A_4, %get3A_5] : memref<32x32xf32, #tpu.memory_space<vmem>>, vector<32x32xf32>
    %dot_general3A = arith.constant dense<0.000000e+00> : vector<4096x32xf32>
    %dot_general3A_7 = tpu.matmul %mul3A_3, %get3A_6, %dot_general3A {dimension_numbers = #tpu.dot_dimension_numbers<[1], [0], [0], [1], [0, 0, 1, 1], [], []>, transpose_lhs_hint = false} : vector<4096x32xf32>, vector<32x32xf32>, vector<4096x32xf32> -> vector<4096x32xf32>
    %get3A_8 = arith.constant 0 : index
    %get3A_9 = arith.constant 0 : index
    %get3A_10 = vector.load %arg2[%get3A_8, %get3A_9] : memref<1x32xf32, #tpu.memory_space<vmem>>, vector<1x32xf32>
    %add3A = vector.broadcast %get3A_10 : vector<1x32xf32> to vector<4096x32xf32>
    %add3A_11 = arith.addf %dot_general3A_7, %add3A : vector<4096x32xf32>
    %max3A = arith.constant 0.000000e+00 : f32
    %max3A_12 = vector.broadcast %max3A : f32 to vector<4096x32xf32>
    %max3A_13 = arith.maximumf %add3A_11, %max3A_12 : vector<4096x32xf32>
    %get3A_14 = arith.constant 0 : index
    %get3A_15 = arith.constant 0 : index
    %get3A_16 = vector.load %arg3[%get3A_14, %get3A_15] : memref<32x128xf32, #tpu.memory_space<vmem>>, vector<32x128xf32>
    %dot_general3A_17 = arith.constant dense<0.000000e+00> : vector<4096x128xf32>
    %dot_general3A_18 = tpu.matmul %max3A_13, %get3A_16, %dot_general3A_17 {dimension_numbers = #tpu.dot_dimension_numbers<[1], [0], [0], [1], [0, 0, 1, 1], [], []>, transpose_lhs_hint = false} : vector<4096x32xf32>, vector<32x128xf32>, vector<4096x128xf32> -> vector<4096x128xf32>
    %get3A_19 = arith.constant 0 : index
    %get3A_20 = arith.constant 0 : index
    %get3A_21 = vector.load %arg4[%get3A_19, %get3A_20] : memref<1x128xf32, #tpu.memory_space<vmem>>, vector<1x128xf32>
    %add3A_22 = vector.broadcast %get3A_21 : vector<1x128xf32> to vector<4096x128xf32>
    %add3A_23 = arith.addf %dot_general3A_18, %add3A_22 : vector<4096x128xf32>
    %swap3A = arith.constant 0 : index
    %swap3A_24 = arith.constant 0 : index
    %swap3A_25 = vector.load %arg5[%swap3A, %swap3A_24] : memref<4096x128xf32, #tpu.memory_space<vmem>>, vector<4096x128xf32>
    tpu.vector_store %arg5[%swap3A, %swap3A_24], %add3A_23 {strides = array<i32>} : memref<4096x128xf32, #tpu.memory_space<vmem>>, vector<4096x128xf32>,
    return
  }
}

</mosaic_0001>

<sc_bundles>
// kernel: kernel.4.cloned.1.call-start
scs
__scs_entry_jumppad:
0x0: {  	(pc) =	sbr.rel $0x88, $3  }
0x1: {  	(tag) =	ssettag $0x0;
	lr =	simm.s32 $0x1  }
0x2: {  	[smem:$0x3F9B] =	sst lr;
	_ =	strace $0xD0000000  }
0x3: {  	_ = 	snop  }
0x4: {  	_ = 	snop  }
0x5: {  	_ = 	snop  }
0x6: {  	_ = 	snop  }
0x7: {  	_ = 	snop  }
__scs_overlays_trampoline_lowered:
0x8: {  	[smem:$0x3FAA] =	sst s0  }
0x9: {  	[smem:$0x3FAB] =	sst s1  }
0xa: {  	[smem:$0x3FAC] =	sst s2  }
0xb: {  	[smem:$0x3FAD] =	sst s3  }
0xc: {  	[smem:$0x3FAE] =	sst s4  }
0xd: {  	[smem:$0x3FAF] =	sst s5  }
0xe: {  	[smem:$0x3FB0] =	sst s6  }
0xf: {  	[smem:$0x3FB1] =	sst s7  }
0x10: {  	[smem:$0x3FB2] =	sst s8  }
0x11: {  	[smem:$0x3FB3] =	sst s9;
	s0 =	simm.s32 @!p0 $0x0  }
0x12: {  	s1 =	sld [smem:$0x3F99];
	s0 =	simm.s32 @p0 $0x1  }
0x13: {  	[smem:$0x3FB4] =	sst s0;
	s0 =	simm.s32 @!p1 $0x0  }
0x14: {  	s2 =	sld [smem:$0x3F98];
	s0 =	simm.s32 @p1 $0x1  }
0x15: {  	[smem:$0x3FB5] =	sst s0;
	s0 =	simm.s32 @!p2 $0x0  }
0x16: {  	s3 =	sld [smem:$0x3FDB];
	s0 =	simm.s32 @p2 $0x1  }
0x17: {  	s4 =	simm.s32 $0x1BF5;
	[smem:$0x3FB7] =	sst s0  }
0x18: {  	s0 =	sld [smem:$0x3F9A];
	_ =	swait.ge [sflag:s4], $0x0  }
0x19: {  	s7 =	sld [smem:$0x3F9B]  }
0x1a: {  	s8 =	sadd.s32 $0xFFFFE003, lr  }
0x1b: {  	s9 =	sadd.s32 $0xFFFFFEF7, lr;
	s5 =	simm.s32 $0xFFFFFFFF;
	p2 =	slt.u32 s8, $0xFFFFF086  }
0x1c: {  	p1 =	slt.u32 s9, $0xF7A;
	s5 =	simm.s32 @!p2 $0x0  }
0x1d: {  	s5 =	simm.s32 @p1 $0x1;
	p0 =	seq.s32 s7, s2  }
0x1e: {  	s7 =	smul.u32 @!p0 $0xF7A, s2;
	p2 =	seq.s32 @!p0 s5, $0x0  }
0x1f: {  	s9 =	smul.u32 $0xF7A, s1;
	s8 =	simm.s32 @!p0 $0x1BF5;
	p2 =	por !p2, p0  }
0x20: {  	[sflag:s8] =	ssyncset.s32 @!p0 $0xFFFFF086;
	s6 =	sadd.s32 @!p0 s3, s7;
	s7 =	simm.s32 @!p0 $0x108  }
0x21: {  	s3 =	sadd.s32 s3, s9;
	s6 =	sadd.s32 @!p0 $0x88, s6;
	s7 =	simm.s32 @p2 $0x1082  }
0x22: {  	[simem:s7], [sflag:s8] =	dma.local @!p0 [hbm:s6], $0xF7A  }
0x23: {  	s9 =	sor.u32 $0xD0000000, s2;
	s6 =	simm.s32 $0x108;
	_ =	swait.ge @!p0 [sflag:s8], $0x0  }
0x24: {  	s3 =	sadd.s32 $0x88, s3;
	s6 =	simm.s32 @!p1 $0x1082;
	[sflag:s4] =	ssyncset.s32 $0xFFFFF086  }
0x25: {  	[simem:s6], [sflag:s4] =	dma.local [hbm:s3], $0xF7A  }
0x26: {  	[smem:$0x3F9B] =	sst s1;
	(tag) =	ssettag s2;
	_ =	strace s9  }
0x27: {  	s1 =	sld [smem:$0x3FAB]  }
0x28: {  	s2 =	sld [smem:$0x3FAC]  }
0x29: {  	s4 =	sld [smem:$0x3FAE]  }
0x2a: {  	p0 =	seq.s32 s5, $0x0;
	s5 =	sld [smem:$0x3FAF]  }
0x2b: {  	s6 =	sld [smem:$0x3FB0]  }
0x2c: {  	s7 =	sld [smem:$0x3FB1]  }
0x2d: {  	s3 =	simm.s32 $0x108;
	s8 =	sld [smem:$0x3FB2]  }
0x2e: {  	s3 =	simm.s32 @!p0 $0x1082;
	s9 =	sld [smem:$0x3FB3]  }
0x2f: {  	lr =	sadd.s32 s0, s3;
	s0 =	sld [smem:$0x3FAA]  }
0x30: {  	s3 =	sld [smem:$0x3FAD]  }
0x31: {  	[smem:$0x3FB6] =	sst s10  }
0x32: {  	s10 =	sld [smem:$0x3FB4];
	_ =	sdelay $0x3  }
0x33: {  	p0 =	seq.s32 s10, $0x1;
	s10 =	sld [smem:$0x3FB6];
	_ =	sdelay $0x3  }
0x34: {  	[smem:$0x3FB6] =	sst s10  }
0x35: {  	s10 =	sld [smem:$0x3FB5];
	_ =	sdelay $0x3  }
0x36: {  	p1 =	seq.s32 s10, $0x1;
	s10 =	sld [smem:$0x3FB6];
	_ =	sdelay $0x3  }
0x37: {  	[smem:$0x3FB6] =	sst s10  }
0x38: {  	s10 =	sld [smem:$0x3FB7]  }
0x39: {  	_ = 	snop;
	(pc) =	sbr.ind lr, $3  }
0x3a: {  	_ = 	snop  }
0x3b: {  	_ = 	snop  }
0x3c: {  	p2 =	seq.s32 s10, $0x1;
	s10 =	sld [smem:$0x3FB6]  }
0x3d: {  	_ =	shalt  }
0x3e: {  	_ =	shalt  }
0x3f: {  	_ =	shalt  }
0x40: {  	_ =	shalt  }
0x41: {  	_ =	shalt  }
0x42: {  	_ =	shalt  }
0x43: {  	_ =	shalt  }
0x44: {  	_ =	shalt  }
0x45: {  	_ =	shalt  }
0x46: {  	_ =	shalt  }
0x47: {  	_ =	shalt  }
0x48: {  	_ =	shalt  }
0x49: {  	_ =	shalt  }
0x4a: {  	_ =	shalt  }
0x4b: {  	_ =	shalt  }
0x4c: {  	_ =	shalt  }
0x4d: {  	_ =	shalt  }
0x4e: {  	_ =	shalt  }
0x4f: {  	_ =	shalt  }
0x50: {  	_ =	shalt  }
0x51: {  	_ =	shalt  }
0x52: {  	_ =	shalt  }
0x53: {  	_ =	shalt  }
0x54: {  	_ =	shalt  }
0x55: {  	_ =	shalt  }
0x56: {  	_ =	shalt  }
0x57: {  	_ =	shalt  }
0x58: {  	_ =	shalt  }
0x59: {  	_ =	shalt  }
0x5a: {  	_ =	shalt  }
0x5b: {  	_ =	shalt  }
0x5c: {  	_ =	shalt  }
0x5d: {  	_ =	shalt  }
0x5e: {  	_ =	shalt  }
0x5f: {  	_ =	shalt  }
0x60: {  	_ =	shalt  }
0x61: {  	_ =	shalt  }
0x62: {  	_ =	shalt  }
0x63: {  	_ =	shalt  }
0x64: {  	_ =	shalt  }
0x65: {  	_ =	shalt  }
0x66: {  	_ =	shalt  }
0x67: {  	_ =	shalt  }
0x68: {  	_ =	shalt  }
0x69: {  	_ =	shalt  }
0x6a: {  	_ =	shalt  }
0x6b: {  	_ =	shalt  }
0x6c: {  	_ =	shalt  }
0x6d: {  	_ =	shalt  }
0x6e: {  	_ =	shalt  }
0x6f: {  	_ =	shalt  }
0x70: {  	_ =	shalt  }
0x71: {  	_ =	shalt  }
0x72: {  	_ =	shalt  }
0x73: {  	_ =	shalt  }
0x74: {  	_ =	shalt  }
0x75: {  	_ =	shalt  }
0x76: {  	_ =	shalt  }
0x77: {  	_ =	shalt  }
0x78: {  	_ =	shalt  }
0x79: {  	_ =	shalt  }
0x7a: {  	_ =	shalt  }
0x7b: {  	_ =	shalt  }
0x7c: {  	_ =	shalt  }
0x7d: {  	_ =	shalt  }
0x7e: {  	_ =	shalt  }
0x7f: {  	_ =	shalt  }
0x80: {  	_ =	shalt  }
0x81: {  	_ =	shalt  }
0x82: {  	_ =	shalt  }
0x83: {  	_ =	shalt  }
0x84: {  	_ =	shalt  }
0x85: {  	_ =	shalt  }
0x86: {  	_ =	shalt  }
0x87: {  	_ =	shalt  }
.Lfunc_end0:
.L_simem_size_0:
called_computation_lowered:
.L_overlay_start_0:
0x88: {  	s2 =	sld [smem:$0x3FD9]  }
0x89: {  	s3 =	sld [smem:$0x3FFE];
	_ =	sdelay $0x1  }
0x8a: {  	s1 =	srdreg.scid  }
0x8b: {  	s0 =	sand.u32 $0x1, s1  }
0x8c: {  	s16 =	sshll.u32 s0, $0xA;
	s2 =	sadd.s32 s3, s2  }
0x8d: {  	s2 =	sadd.s32 s2, s16  }
0x8e: {  	[smem:$0x3FC2] =	sst s2  }
0x8f: {  	_ = 	snop  }
0x90: {  	(tm) =	ssettm $0x1  }
0x91: {  	s17 =	sld [smem:$0x3FFB];
	_ =	sdelay $0x3  }
0x92: {  	_ =	strace s17  }
0x93: {  	s2 =	sld [smem:$0x3FFC];
	_ =	sdelay $0x3  }
0x94: {  	_ =	strace s2  }
0x95: {  	s2 =	sld [smem:$0x3FFD];
	_ =	sdelay $0x3  }
0x96: {  	_ =	strace s2  }
0x97: {  	_ =	strace $0x8FFFFFFF  }
0x98: {  	s18 =	sld [smem:$0x3FDB];
	_ =	sdelay $0x1  }
0x99: {  	s19 =	simm.s32 $_scs_section_size  }
0x9a: {  	s4 =	simm.s32 $_size__tile_overlayer_lowered;
	s5 =	simm.s32 $_tile_overlayer_lowered  }
0x9b: {  	s22 =	simm.s32 $0x1BFF;
	s21 =	sshll.u32 s5, $0x1;
	s2 =	sadd.s32 s19, s18  }
0x9c: {  	s6 =	simm.s32 $0x0;
	s20 =	sshll.u32 s4, $0x1;
	s4 =	sadd.s32 s21, s2  }
0x9d: {  	[timem:s6], [sflag:s22] =	dma.local [hbm:s4], s20  }
0x9e: {  	_ =	swait.ge [sflag:s22], s20  }
0x9f: {  	s3 =	ssub.s32 $0x0, s20;
	[sflag:s22] =	ssyncset.done $0x0  }
0xa0: {  	[sflag:s22] =	ssyncadd.s32 s3;
	_ =	sdelay $0x1  }
0xa1: {  	s23 =	simm.s32 $0x1B8B  }
0xa2: {  	_ =	swait.ge [sflag:s23], $0x1  }
0xa3: {  	[sflag:s23] =	ssyncset.done $0x0  }
0xa4: {  	s25 =	simm.s32 $0x1B8E;
	s24 =	sld [smem:$0x3FFE];
	[sflag:s23] =	ssyncadd.s32 $0xFFFFFFFF  }
0xa5: {  	s26 =	simm.s32 $execute0_lowered;
	[smem:$0x3FD2] =	sst s25  }
0xa6: {  	s4 =	sshll.u32 s26, $0x1;
	_ =	strace $0x80000046;
	[dreg:$0x1] =	wrdreg $0xFFFFFFFF  }
0xa7: {  	s28 =	simm.s32 $_size_execute0_lowered;
	s2 =	sadd.s32 s2, s4;
	[dreg:$0x0] =	wrdreg $0x0  }
0xa8: {  	s4 =	sshll.u32 s28, $0x1;
	[dreg:$0x2] =	wrdreg s2  }
0xa9: {  	[dreg:$0x3] =	wrdreg s4  }
0xaa: {  	[dreg:$0x4] =	wrdreg $0xC0  }
0xab: {  	_ =	task [dreg:s6], $0x5FFFF  }
0xac: {  	[dreg:$0x1] =	wrdreg $0xFFFFFFFF  }
0xad: {  	[dreg:$0x0] =	wrdreg $0x60  }
0xae: {  	[dreg:$0x2] =	wrdreg s24  }
0xaf: {  	[dreg:$0x3] =	wrdreg $0x9  }
0xb0: {  	_ =	task.clear_ibuf [dreg:s6], $0x4FFFF;
	_ =	strace $0x90000046  }
0xb1: {  	s29 =	simm.s32 $0x9;
	_ =	strace $0x80000048  }
0xb2: {  	_ =	swait.ge [sflag:s29], $0x1  }
0xb3: {  	[sflag:s29] =	ssyncadd.s32 $0xFFFFFFFF  }
0xb4: {  	_ =	strace $0x90000048  }
0xb5: {  	_ =	sfence  }
0xb6: {  	s30 =	sld [smem:$0x0];
	_ =	sdelay $0x2  }
0xb7: {  	s31 =	sshll.u32 s1, $0xD;
	s1 =	sshrl.u32 s1, $0x2  }
0xb8: {  	s3 =	sand.u32 $0x4000, s31;
	s1 =	sadd.s32 s1, s30  }
0xb9: {  	s0 =	sor.u32 s3, s0;
	s1 =	sshll.u32 s1, $0x11  }
0xba: {  	s0 =	sor.u32 s1, s0  }
0xbb: {  	s0 =	sadd.s32 $0x8F2B, s0  }
0xbc: {  	[sflag:s0] =	ssyncadd.remote.s32 $0x1  }
0xbd: {  	_ =	sfence.sel $0xFFFF  }
0xbe: {  	[dreg:$0x0] =	wrdreg $0xFFFFFFFF;
	(pc) =	sbr.abs _section_cstart, $3  }
0xbf: {  	[dreg:$0x1] =	wrdreg $0xFFFFFFFF  }
0xc0: {  	_ =	task.clear_ibuf [dreg:s6], $0x2FFFF;
	_ =	strace $0x9FFFFFFF  }
0xc1: {  	(tm) =	ssettm $0x7FFFFFFF  }
tec
execute0_lowered:
.L_overlay_start_1:
0x0: {  	(tag) =	ssettag $0x1  }
0x1: {  	s0 =	srdreg.scid  }
0x2: {  	s2 =	stileid.u32;
	s1 =	rddreg [dreg:$0x0]  }
0x3: {  	s7 =	simm.s32 $0x5;
	s8 =	simm.s32 $0x80;
	s10 =	simm.s32 $0x48  }
0x4: {  	s13 =	simm.s32 $0x7D00;
	s14 =	simm.s32 $0x148;
	s15 =	simm.s32 $0x8D00  }
0x5: {  	s16 =	simm.s32 $0x190;
	s17 =	simm.s32 $0x9600;
	s18 =	simm.s32 $0x210  }
0x6: {  	s19 =	simm.s32 $0xA600;
	s20 =	simm.s32 $0x258;
	s21 =	simm.s32 $0xAF00  }
0x7: {  	s22 =	simm.s32 $0x2D8;
	s23 =	simm.s32 $0xBF00;
	s24 =	simm.s32 $0x1  }
0x8: {  	s25 =	simm.s32 $0x2;
	s26 =	simm.s32 $0x3;
	s28 =	simm.s32 $0x4  }
0x9: {  	s29 =	simm.s32 $0xC800;
	s30 =	simm.s32 $0x0;
	s0 =	sand.u32 $0x1, s0  }
0xa: {  	s3 =	sshll.u32 s2, $0x8;
	s2 =	simm.s32 $0x0;
	s4 =	sshll.u32 s0, $0x7  }
.Ltmp0:
0xb: {  	[smem:$0x7FF] =	sst s2;
	s3 =	sor.u32 s4, s3;
	(pc) =	sbr.rel .LBB2_1-.Ltmp0, $4  }
0xc: {  	s0 =	ssub.s32 $0x2, s0;
	_ =	strace $0x80000047;
	s4 =	smul.u32 $0x19, s3  }
0xd: {  	s31 =	sshrl.u32 s0, $0x1;
	s5 =	sshll.u32 s3, $0x2;
	s3 =	sadd.s32 $0xF42E00, s1  }
0xe: {  	s0 =	ssub.s32 s0, s31;
	s4 =	sadd.s32 s4, s1;
	s1 =	sadd.s32 s5, s1  }
0xf: {  	s6 =	smax.u32 s0, $0x1;
	s4 =	sadd.s32 $0xA00, s4;
	s5 =	sadd.s32 $0x19A00, s1  }
.LBB2_12:
0x10: {  	s30 =	sadd.s32 $0x1, s30  }
0x11: {  	p0 =	sne.s32 s30, s6  }
.Ltmp1:
0x12: {  	_ = 	snop;
	(pc) =	sbr.rel @!p0 .LBB2_13-.Ltmp1, $4  }
0x13: {  	[hbm4b:s5+s2] =	stream.linear.scatter [tilespmem:s29], [sflag:$0x5], $0x1000, $0x38;
	[tilespmem:$0xD800] =	vst v63  }
0x14: {  	_ =	swait.ge [sflag:s7], $0x1000  }
0x15: {  	[sflag:s7] =	ssyncset.done $0x0  }
0x16: {  	[sflag:s7] =	ssyncadd.s32 $0xFFFFF000  }
.LBB2_1:
0x17: {  	[tilespmem:s2], [sflag:$0x5] =	stream.linear.gather [hbm4b:s4+s2], $0x6400, $0x38;
	[tilespmem:$0xD800] =	vst v63  }
0x18: {  	_ =	swait.ge [sflag:s7], $0x6400  }
0x19: {  	[sflag:s7] =	ssyncset.done $0x0  }
0x1a: {  	s0 =	simm.s32 $0x6400;
	[sflag:s7] =	ssyncadd.s32 $0xFFFF9C00  }
0x1b: {  	[tilespmem:s0], [sflag:$0x1] =	stream.indirect.gather [hbm4b:s3+s8], $0x20, s2, s8, $0xb8;
	[tilespmem:$0xD800] =	vst v63  }
0x1c: {  	s11 =	simm.s32 $0x7400  }
0x1d: {  	[tilespmem:s11], [sflag:$0x1] =	stream.indirect.gather [hbm4b:s3+s10], $0x20, s8, s10, $0xb8;
	[tilespmem:$0xD800] =	vst v63  }
0x1e: {  	s12 =	simm.s32 $0xC8  }
0x1f: {  	[tilespmem:s13], [sflag:$0x2] =	stream.indirect.gather [hbm4b:s3+s8], $0x20, s12, s8, $0xb8;
	[tilespmem:$0xD800] =	vst v63  }
0x20: {  	_ = 	snop  }
0x21: {  	[tilespmem:s15], [sflag:$0x2] =	stream.indirect.gather [hbm4b:s3+s10], $0x20, s14, s10, $0xb8;
	[tilespmem:$0xD800] =	vst v63  }
0x22: {  	_ = 	snop  }
0x23: {  	[tilespmem:s17], [sflag:$0x3] =	stream.indirect.gather [hbm4b:s3+s8], $0x20, s16, s8, $0xb8;
	[tilespmem:$0xD800] =	vst v63  }
0x24: {  	_ = 	snop  }
0x25: {  	[tilespmem:s19], [sflag:$0x3] =	stream.indirect.gather [hbm4b:s3+s10], $0x20, s18, s10, $0xb8;
	[tilespmem:$0xD800] =	vst v63  }
0x26: {  	_ = 	snop  }
0x27: {  	[tilespmem:s21], [sflag:$0x4] =	stream.indirect.gather [hbm4b:s3+s8], $0x20, s20, s8, $0xb8;
	[tilespmem:$0xD800] =	vst v63  }
0x28: {  	s31 =	simm.s32 $0x0  }
0x29: {  	[tilespmem:s23], [sflag:$0x4] =	stream.indirect.gather [hbm4b:s3+s10], $0x20, s22, s10, $0xb8;
	[tilespmem:$0xD800] =	vst v63  }
.LBB2_2:
0x2a: {  	_ =	swait.ge [sflag:s24], $0x1000  }
0x2b: {  	[sflag:s24] =	ssyncset.done $0x0  }
0x2c: {  	[sflag:s24] =	ssyncadd.s32 $0xFFFFF000  }
0x2d: {  	_ =	swait.ge [sflag:s24], $0x900  }
0x2e: {  	[sflag:s24] =	ssyncset.done $0x0  }
0x2f: {  	s1 =	simm.s32 $0x6500;
	[sflag:s24] =	ssyncadd.s32 $0xFFFFF700  }
0x30: {  	v0 =	vld [tilespmem:s1+$0xC0]  }
0x31: {  	v1 =	vld [tilespmem:s1+$0xD0]  }
0x32: {  	v2 =	vld [tilespmem:s1+$0x80]  }
0x33: {  	v3 =	vld [tilespmem:s1+$0x90]  }
0x34: {  	v9 =	vld [tilespmem:s1+$0x40]  }
0x35: {  	v10 =	vld [tilespmem:s1+$0x50]  }
0x36: {  	v6 =	vld [tilespmem:s1+$0x0]  }
0x37: {  	v8 =	vld [tilespmem:s1+$0x10]  }
0x38: {  	v5 =	vld [tilespmem:s1+$0xFFFFFFC0]  }
0x39: {  	v7 =	vld [tilespmem:s1+$0xFFFFFFD0]  }
0x3a: {  	v4 =	vld [tilespmem:s1+$0xFFFFFF80]  }
0x3b: {  	v11 =	vld [tilespmem:s1+$0xFFFFFF90]  }
0x3c: {  	v12 =	vld [tilespmem:s1+$0xFFFFFF40]  }
0x3d: {  	v13 =	vld [tilespmem:s1+$0xFFFFFF50]  }
0x3e: {  	v14 =	vld [tilespmem:s1+$0xFFFFFF00]  }
0x3f: {  	v15 =	vld [tilespmem:s1+$0xFFFFFF10]  }
0x40: {  	v16 =	vld [tilespmem:s1+$0xFFFFFF20]  }
0x41: {  	v17 =	vld [tilespmem:s1+$0xFFFFFF30]  }
0x42: {  	v18 =	vld [tilespmem:s1+$0xFFFFFF60]  }
0x43: {  	v19 =	vld [tilespmem:s1+$0xFFFFFF70]  }
0x44: {  	v20 =	vimm.f32 $0.0e+00;
	v21 =	vld [tilespmem:s1+$0xFFFFFFA0]  }
0x45: {  	v22 =	vld [tilespmem:s1+$0xFFFFFFB0];
	v14 =	vadd.f32 v14, v20;
	v15 =	vadd.f32 v15, v20  }
0x46: {  	v59 =	vld [tilespmem:s1+$0xFFFFFFE0];
	v16 =	vadd.f32 v16, v20;
	v17 =	vadd.f32 v17, v20  }
0x47: {  	v12 =	vadd.f32 v12, v14;
	v13 =	vadd.f32 v13, v15;
	v14 =	vld [tilespmem:s1+$0xFFFFFFF0]  }
0x48: {  	v61 =	vld [tilespmem:s1+$0x20];
	v15 =	vadd.f32 v18, v16;
	v60 =	vadd.f32 v19, v17  }
0x49: {  	v12 =	vadd.f32 v4, v12;
	v11 =	vadd.f32 v11, v13;
	v13 =	vld [tilespmem:s1+$0x30]  }
0x4a: {  	v15 =	vadd.f32 v21, v15;
	v16 =	vadd.f32 v22, v60;
	v4 =	vld [tilespmem:s1+$0x60]  }
0x4b: {  	v12 =	vadd.f32 v5, v12;
	v11 =	vadd.f32 v7, v11;
	v7 =	vld [tilespmem:s1+$0x70]  }
0x4c: {  	v15 =	vadd.f32 v59, v15;
	v5 =	vld [tilespmem:s1+$0xA0];
	v14 =	vadd.f32 v14, v16  }
0x4d: {  	v62 =	vadd.f32 v6, v12;
	v63 =	vadd.f32 v8, v11;
	v8 =	vld [tilespmem:s1+$0xB0]  }
0x4e: {  	v12 =	vadd.f32 v61, v15;
	v6 =	vld [tilespmem:s1+$0xE0];
	v11 =	vadd.f32 v13, v14  }
0x4f: {  	s0 =	simm.s32 $0x0;
	v13 =	vadd.f32 v9, v62;
	v10 =	vadd.f32 v10, v63;
	v9 =	vld [tilespmem:s1+$0xF0];
	s1 =	simm.s32 $0x6700  }
.LBB2_3:
0x50: {  	v14 =	vld [tilespmem:s1+$0xC0];
	v4 =	vadd.f32 v4, v12;
	v7 =	vadd.f32 v7, v11  }
0x51: {  	v11 =	vld [tilespmem:s1+$0xD0];
	v12 =	vadd.f32 v2, v13;
	v10 =	vadd.f32 v3, v10  }
0x52: {  	v2 =	vld [tilespmem:s1+$0x80];
	v4 =	vadd.f32 v5, v4;
	v5 =	vadd.f32 v8, v7  }
0x53: {  	v3 =	vld [tilespmem:s1+$0x90];
	v7 =	vadd.f32 v0, v12;
	v8 =	vadd.f32 v1, v10  }
0x54: {  	v10 =	vld [tilespmem:s1+$0x40];
	v4 =	vadd.f32 v6, v4;
	v5 =	vadd.f32 v9, v5  }
0x55: {  	v9 =	vld [tilespmem:s1+$0x50];
	v0 =	vmov v14  }
0x56: {  	v6 =	vld [tilespmem:s1+$0x0];
	v1 =	vmov v11  }
0x57: {  	v11 =	vld [tilespmem:s1+$0x10]  }
0x58: {  	v12 =	vld [tilespmem:s1+$0xFFFFFFC0]  }
0x59: {  	v13 =	vld [tilespmem:s1+$0xFFFFFFD0]  }
0x5a: {  	v14 =	vld [tilespmem:s1+$0xFFFFFF80]  }
0x5b: {  	v15 =	vld [tilespmem:s1+$0xFFFFFF90]  }
0x5c: {  	v16 =	vld [tilespmem:s1+$0xFFFFFF40]  }
0x5d: {  	v17 =	vld [tilespmem:s1+$0xFFFFFF50]  }
0x5e: {  	v18 =	vld [tilespmem:s1+$0xFFFFFF00]  }
0x5f: {  	v19 =	vld [tilespmem:s1+$0xFFFFFF10]  }
0x60: {  	v20 =	vld [tilespmem:s1+$0xFFFFFF20]  }
0x61: {  	s0 =	sadd.s32 $0x8, s0;
	v21 =	vld [tilespmem:s1+$0xFFFFFF30]  }
0x62: {  	p0 =	slt.u32 s0, $0x58;
	v22 =	vld [tilespmem:s1+$0xFFFFFF60]  }
0x63: {  	v23 =	vld [tilespmem:s1+$0xFFFFFF70]  }
0x64: {  	v24 =	vld [tilespmem:s1+$0xFFFFFFA0]  }
0x65: {  	v7 =	vadd.f32 v18, v7;
	v8 =	vadd.f32 v19, v8;
	v18 =	vld [tilespmem:s1+$0xFFFFFFB0]  }
0x66: {  	v4 =	vadd.f32 v20, v4;
	v5 =	vadd.f32 v21, v5;
	v19 =	vld [tilespmem:s1+$0xFFFFFFE0]  }
0x67: {  	v7 =	vadd.f32 v16, v7;
	v8 =	vadd.f32 v17, v8;
	v16 =	vld [tilespmem:s1+$0xFFFFFFF0]  }
0x68: {  	v4 =	vadd.f32 v22, v4;
	v5 =	vadd.f32 v23, v5;
	v17 =	vld [tilespmem:s1+$0x20]  }
0x69: {  	v7 =	vadd.f32 v14, v7;
	v8 =	vadd.f32 v15, v8;
	v14 =	vld [tilespmem:s1+$0x30]  }
0x6a: {  	v15 =	vadd.f32 v24, v4;
	v5 =	vadd.f32 v18, v5;
	v4 =	vld [tilespmem:s1+$0x60]  }
.Ltmp2:
0x6b: {  	v12 =	vadd.f32 v12, v7;
	v8 =	vadd.f32 v13, v8;
	v7 =	vld [tilespmem:s1+$0x70];
	(pc) =	sbr.rel @p0 .LBB2_3-.Ltmp2, $4  }
0x6c: {  	v13 =	vadd.f32 v19, v15;
	v15 =	vadd.f32 v16, v5;
	v5 =	vld [tilespmem:s1+$0xA0]  }
0x6d: {  	v16 =	vadd.f32 v6, v12;
	v18 =	vadd.f32 v11, v8;
	v8 =	vld [tilespmem:s1+$0xB0]  }
0x6e: {  	v12 =	vadd.f32 v17, v13;
	v11 =	vadd.f32 v14, v15;
	v6 =	vld [tilespmem:s1+$0xE0]  }
0x6f: {  	v13 =	vadd.f32 v10, v16;
	v10 =	vadd.f32 v9, v18;
	v9 =	vld [tilespmem:s1+$0xF0];
	s1 =	sadd.s32 $0x200, s1  }
0x70: {  	v14 =	vld [tilespmem:$0x7C00]  }
0x71: {  	v15 =	vld [tilespmem:$0x7C10]  }
0x72: {  	v16 =	vld [tilespmem:$0x7C20]  }
0x73: {  	v17 =	vld [tilespmem:$0x7C30]  }
0x74: {  	v18 =	vld [tilespmem:$0x7C40]  }
0x75: {  	v19 =	vld [tilespmem:$0x7C50]  }
0x76: {  	v20 =	vld [tilespmem:$0x7C60]  }
0x77: {  	v4 =	vadd.f32 v4, v12;
	v12 =	vld [tilespmem:$0x7C70]  }
0x78: {  	v7 =	vadd.f32 v7, v11;
	v11 =	vld [tilespmem:$0x7C80];
	v2 =	vadd.f32 v2, v13  }
0x79: {  	v3 =	vadd.f32 v3, v10;
	v10 =	vld [tilespmem:$0x7CF0];
	v4 =	vadd.f32 v5, v4  }
0x7a: {  	v5 =	vld [tilespmem:$0x7C90];
	v7 =	vadd.f32 v8, v7  }
0x7b: {  	v8 =	vld [tilespmem:$0x7CA0];
	v0 =	vadd.f32 v0, v2;
	v2 =	vadd.f32 v6, v4  }
0x7c: {  	v1 =	vadd.f32 v1, v3;
	v4 =	vld [tilespmem:$0x7CB0];
	v3 =	vadd.f32 v9, v7  }
0x7d: {  	v6 =	vld [tilespmem:$0x7CC0];
	v0 =	vadd.f32 v14, v0;
	v2 =	vadd.f32 v16, v2  }
0x7e: {  	v9 =	vld [tilespmem:$0x7CE0];
	v1 =	vadd.f32 v15, v1;
	v3 =	vadd.f32 v17, v3  }
0x7f: {  	v7 =	vld [tilespmem:$0x7CD0];
	v0 =	vadd.f32 v18, v0;
	v2 =	vadd.f32 v20, v2  }
0x80: {  	v1 =	vadd.f32 v19, v1;
	v3 =	vadd.f32 v12, v3  }
0x81: {  	v0 =	vadd.f32 v11, v0;
	v2 =	vadd.f32 v8, v2  }
0x82: {  	v1 =	vadd.f32 v5, v1;
	v3 =	vadd.f32 v4, v3  }
0x83: {  	v0 =	vadd.f32 v6, v0;
	v2 =	vadd.f32 v9, v2  }
0x84: {  	p0 =	seq.s32 s31, $0x1F;
	v1 =	vadd.f32 v7, v1;
	v3 =	vadd.f32 v10, v3  }
0x85: {  	s0 =	sshll.u32 s31, $0x7;
	s9 =	smul.u32 @!p0 $0xC80, s31;
	v0 =	vadd.f32 v2, v0  }
0x86: {  	s1 =	sand.u32 $0x3FFFFF80, s0;
	v1 =	vadd.f32 v3, v1  }
0x87: {  	s0 =	sshra.s32 @!p0 s9, $0x2;
	[tilespmem:s1+$0xC800] =	vst v0  }
0x88: {  	s11 =	simm.s32 @!p0 $0x80;
	s12 =	simm.s32 @!p0 $0x6400;
	s9 =	sadd.s32 @!p0 $0x320, s0;
	[tilespmem:s1+$0xC810] =	vst v1  }
0x89: {  	[tilespmem:s12], [sflag:$0x1] =	stream.indirect.gather @!p0 [hbm4b:s3+s11], $0x20, s9, s11, $0xb8;
	[tilespmem:$0xD800] =	vst v63  }
0x8a: {  	s9 =	sadd.s32 @!p0 $0x3A0, s0;
	s11 =	simm.s32 @!p0 $0x48;
	s12 =	simm.s32 @!p0 $0x7400  }
0x8b: {  	[tilespmem:s12], [sflag:$0x1] =	stream.indirect.gather @!p0 [hbm4b:s3+s11], $0x20, s9, s11, $0xb8;
	[tilespmem:$0xD800] =	vst v63  }
0x8c: {  	_ =	swait.ge [sflag:s25], $0x1000  }
0x8d: {  	[sflag:s25] =	ssyncset.done $0x0  }
0x8e: {  	[sflag:s25] =	ssyncadd.s32 $0xFFFFF000  }
0x8f: {  	_ =	swait.ge [sflag:s25], $0x900  }
0x90: {  	[sflag:s25] =	ssyncset.done $0x0  }
0x91: {  	s12 =	simm.s32 $0x7EF0;
	[sflag:s25] =	ssyncadd.s32 $0xFFFFF700  }
0x92: {  	v0 =	vld [tilespmem:s12+$0xFFFFFFD0]  }
0x93: {  	v1 =	vld [tilespmem:s12+$0xFFFFFFE0]  }
0x94: {  	v2 =	vld [tilespmem:s12+$0xFFFFFF90]  }
0x95: {  	v3 =	vld [tilespmem:s12+$0xFFFFFFA0]  }
0x96: {  	v9 =	vld [tilespmem:s12+$0xFFFFFF50]  }
0x97: {  	v10 =	vld [tilespmem:s12+$0xFFFFFF60]  }
0x98: {  	v6 =	vld [tilespmem:s12+$0xFFFFFF10]  }
0x99: {  	v8 =	vld [tilespmem:s12+$0xFFFFFF20]  }
0x9a: {  	v5 =	vld [tilespmem:s12+$0xFFFFFED0]  }
0x9b: {  	v7 =	vld [tilespmem:s12+$0xFFFFFEE0]  }
0x9c: {  	v4 =	vld [tilespmem:s12+$0xFFFFFE90]  }
0x9d: {  	v11 =	vld [tilespmem:s12+$0xFFFFFEA0]  }
0x9e: {  	v12 =	vld [tilespmem:s12+$0xFFFFFE50]  }
0x9f: {  	v13 =	vld [tilespmem:s12+$0xFFFFFE60]  }
0xa0: {  	v14 =	vld [tilespmem:s12+$0xFFFFFE10]  }
0xa1: {  	v15 =	vld [tilespmem:s12+$0xFFFFFE20]  }
0xa2: {  	v54 =	vld [tilespmem:s12+$0xFFFFFE30]  }
0xa3: {  	v55 =	vld [tilespmem:s12+$0xFFFFFE40]  }
0xa4: {  	v56 =	vld [tilespmem:s12+$0xFFFFFE70]  }
0xa5: {  	v57 =	vld [tilespmem:s12+$0xFFFFFE80]  }
0xa6: {  	v58 =	vimm.f32 $0.0e+00;
	v21 =	vld [tilespmem:s12+$0xFFFFFEB0]  }
0xa7: {  	v22 =	vld [tilespmem:s12+$0xFFFFFEC0];
	v14 =	vadd.f32 v14, v58;
	v15 =	vadd.f32 v15, v58  }
0xa8: {  	v59 =	vld [tilespmem:s12+$0xFFFFFEF0];
	v16 =	vadd.f32 v54, v58;
	v17 =	vadd.f32 v55, v58  }
0xa9: {  	v12 =	vadd.f32 v12, v14;
	v13 =	vadd.f32 v13, v15;
	v14 =	vld [tilespmem:s12+$0xFFFFFF00]  }
0xaa: {  	v61 =	vld [tilespmem:s12+$0xFFFFFF30];
	v15 =	vadd.f32 v56, v16;
	v60 =	vadd.f32 v57, v17  }
0xab: {  	v12 =	vadd.f32 v4, v12;
	v11 =	vadd.f32 v11, v13;
	v13 =	vld [tilespmem:s12+$0xFFFFFF40]  }
0xac: {  	v15 =	vadd.f32 v21, v15;
	v16 =	vadd.f32 v22, v60;
	v4 =	vld [tilespmem:s12+$0xFFFFFF70]  }
0xad: {  	v12 =	vadd.f32 v5, v12;
	v11 =	vadd.f32 v7, v11;
	v7 =	vld [tilespmem:s12+$0xFFFFFF80]  }
0xae: {  	v15 =	vadd.f32 v59, v15;
	v5 =	vld [tilespmem:s12+$0xFFFFFFB0];
	v14 =	vadd.f32 v14, v16  }
0xaf: {  	v62 =	vadd.f32 v6, v12;
	v63 =	vadd.f32 v8, v11;
	v8 =	vld [tilespmem:s12+$0xFFFFFFC0]  }
0xb0: {  	v12 =	vadd.f32 v61, v15;
	v6 =	vld [tilespmem:s12+$0xFFFFFFF0];
	v11 =	vadd.f32 v13, v14  }
0xb1: {  	s9 =	simm.s32 $0x0;
	s11 =	simm.s32 $0x80F0;
	v13 =	vadd.f32 v9, v62;
	v10 =	vadd.f32 v10, v63;
	v9 =	vld [tilespmem:s12+$0x0]  }
.LBB2_5:
0xb2: {  	v14 =	vld [tilespmem:s11+$0xFFFFFFD0];
	v4 =	vadd.f32 v4, v12;
	v7 =	vadd.f32 v7, v11  }
0xb3: {  	v11 =	vld [tilespmem:s11+$0xFFFFFFE0];
	v12 =	vadd.f32 v2, v13;
	v10 =	vadd.f32 v3, v10  }
0xb4: {  	v2 =	vld [tilespmem:s11+$0xFFFFFF90];
	v4 =	vadd.f32 v5, v4;
	v5 =	vadd.f32 v8, v7  }
0xb5: {  	v3 =	vld [tilespmem:s11+$0xFFFFFFA0];
	v7 =	vadd.f32 v0, v12;
	v8 =	vadd.f32 v1, v10  }
0xb6: {  	v10 =	vld [tilespmem:s11+$0xFFFFFF50];
	v4 =	vadd.f32 v6, v4;
	v5 =	vadd.f32 v9, v5  }
0xb7: {  	v9 =	vld [tilespmem:s11+$0xFFFFFF60];
	v0 =	vmov v14  }
0xb8: {  	v6 =	vld [tilespmem:s11+$0xFFFFFF10];
	v1 =	vmov v11  }
0xb9: {  	v11 =	vld [tilespmem:s11+$0xFFFFFF20]  }
0xba: {  	v12 =	vld [tilespmem:s11+$0xFFFFFED0]  }
0xbb: {  	v13 =	vld [tilespmem:s11+$0xFFFFFEE0]  }
0xbc: {  	v14 =	vld [tilespmem:s11+$0xFFFFFE90]  }
0xbd: {  	v15 =	vld [tilespmem:s11+$0xFFFFFEA0]  }
0xbe: {  	v16 =	vld [tilespmem:s11+$0xFFFFFE50]  }
0xbf: {  	v17 =	vld [tilespmem:s11+$0xFFFFFE60]  }
0xc0: {  	v18 =	vld [tilespmem:s11+$0xFFFFFE10]  }
0xc1: {  	v19 =	vld [tilespmem:s11+$0xFFFFFE20]  }
0xc2: {  	v20 =	vld [tilespmem:s11+$0xFFFFFE30]  }
0xc3: {  	s9 =	sadd.s32 $0x8, s9;
	v21 =	vld [tilespmem:s11+$0xFFFFFE40]  }
0xc4: {  	p1 =	slt.u32 s9, $0x58;
	v22 =	vld [tilespmem:s11+$0xFFFFFE70]  }
0xc5: {  	v23 =	vld [tilespmem:s11+$0xFFFFFE80]  }
0xc6: {  	v24 =	vld [tilespmem:s11+$0xFFFFFEB0]  }
0xc7: {  	v7 =	vadd.f32 v18, v7;
	v8 =	vadd.f32 v19, v8;
	v18 =	vld [tilespmem:s11+$0xFFFFFEC0]  }
0xc8: {  	v4 =	vadd.f32 v20, v4;
	v5 =	vadd.f32 v21, v5;
	v19 =	vld [tilespmem:s11+$0xFFFFFEF0]  }
0xc9: {  	v7 =	vadd.f32 v16, v7;
	v8 =	vadd.f32 v17, v8;
	v16 =	vld [tilespmem:s11+$0xFFFFFF00]  }
0xca: {  	v4 =	vadd.f32 v22, v4;
	v5 =	vadd.f32 v23, v5;
	v17 =	vld [tilespmem:s11+$0xFFFFFF30]  }
0xcb: {  	v7 =	vadd.f32 v14, v7;
	v8 =	vadd.f32 v15, v8;
	v14 =	vld [tilespmem:s11+$0xFFFFFF40]  }
0xcc: {  	v15 =	vadd.f32 v24, v4;
	v5 =	vadd.f32 v18, v5;
	v4 =	vld [tilespmem:s11+$0xFFFFFF70]  }
.Ltmp3:
0xcd: {  	v12 =	vadd.f32 v12, v7;
	v8 =	vadd.f32 v13, v8;
	v7 =	vld [tilespmem:s11+$0xFFFFFF80];
	(pc) =	sbr.rel @p1 .LBB2_5-.Ltmp3, $4  }
0xce: {  	v13 =	vadd.f32 v19, v15;
	v15 =	vadd.f32 v16, v5;
	v5 =	vld [tilespmem:s11+$0xFFFFFFB0]  }
0xcf: {  	v16 =	vadd.f32 v6, v12;
	v18 =	vadd.f32 v11, v8;
	v8 =	vld [tilespmem:s11+$0xFFFFFFC0]  }
0xd0: {  	v12 =	vadd.f32 v17, v13;
	v11 =	vadd.f32 v14, v15;
	v6 =	vld [tilespmem:s11+$0xFFFFFFF0]  }
0xd1: {  	v13 =	vadd.f32 v10, v16;
	v10 =	vadd.f32 v9, v18;
	v9 =	vld [tilespmem:s11+$0x0];
	s11 =	sadd.s32 $0x200, s11  }
0xd2: {  	v14 =	vld [tilespmem:$0x9500]  }
0xd3: {  	v15 =	vld [tilespmem:$0x9510]  }
0xd4: {  	v16 =	vld [tilespmem:$0x9520]  }
0xd5: {  	v17 =	vld [tilespmem:$0x9530]  }
0xd6: {  	v18 =	vld [tilespmem:$0x9540]  }
0xd7: {  	v19 =	vld [tilespmem:$0x9550]  }
0xd8: {  	v20 =	vld [tilespmem:$0x9560]  }
0xd9: {  	v4 =	vadd.f32 v4, v12;
	v12 =	vld [tilespmem:$0x9570]  }
0xda: {  	v7 =	vadd.f32 v7, v11;
	v11 =	vld [tilespmem:$0x9580];
	v2 =	vadd.f32 v2, v13  }
0xdb: {  	v3 =	vadd.f32 v3, v10;
	v10 =	vld [tilespmem:$0x95F0];
	v4 =	vadd.f32 v5, v4  }
0xdc: {  	v5 =	vld [tilespmem:$0x9590];
	v7 =	vadd.f32 v8, v7  }
0xdd: {  	v8 =	vld [tilespmem:$0x95A0];
	v0 =	vadd.f32 v0, v2;
	v2 =	vadd.f32 v6, v4  }
0xde: {  	v1 =	vadd.f32 v1, v3;
	v4 =	vld [tilespmem:$0x95B0];
	v3 =	vadd.f32 v9, v7  }
0xdf: {  	v6 =	vld [tilespmem:$0x95C0];
	v0 =	vadd.f32 v14, v0;
	v2 =	vadd.f32 v16, v2  }
0xe0: {  	v9 =	vld [tilespmem:$0x95E0];
	v1 =	vadd.f32 v15, v1;
	v3 =	vadd.f32 v17, v3  }
0xe1: {  	v7 =	vld [tilespmem:$0x95D0];
	v0 =	vadd.f32 v18, v0;
	v2 =	vadd.f32 v20, v2  }
0xe2: {  	v1 =	vadd.f32 v19, v1;
	v3 =	vadd.f32 v12, v3  }
0xe3: {  	v0 =	vadd.f32 v11, v0;
	v2 =	vadd.f32 v8, v2  }
0xe4: {  	v1 =	vadd.f32 v5, v1;
	v3 =	vadd.f32 v4, v3  }
0xe5: {  	v0 =	vadd.f32 v6, v0;
	v2 =	vadd.f32 v9, v2  }
0xe6: {  	v1 =	vadd.f32 v7, v1;
	v3 =	vadd.f32 v10, v3  }
0xe7: {  	v0 =	vadd.f32 v2, v0  }
0xe8: {  	v1 =	vadd.f32 v3, v1  }
0xe9: {  	[tilespmem:s1+$0xC820] =	vst v0  }
0xea: {  	s9 =	sadd.s32 @!p0 $0x3E8, s0;
	s11 =	simm.s32 @!p0 $0x80;
	s12 =	simm.s32 @!p0 $0x7D00;
	[tilespmem:s1+$0xC830] =	vst v1  }
0xeb: {  	[tilespmem:s12], [sflag:$0x2] =	stream.indirect.gather @!p0 [hbm4b:s3+s11], $0x20, s9, s11, $0xb8;
	[tilespmem:$0xD800] =	vst v63  }
0xec: {  	s9 =	sadd.s32 @!p0 $0x468, s0;
	s11 =	simm.s32 @!p0 $0x48;
	s12 =	simm.s32 @!p0 $0x8D00  }
0xed: {  	[tilespmem:s12], [sflag:$0x2] =	stream.indirect.gather @!p0 [hbm4b:s3+s11], $0x20, s9, s11, $0xb8;
	[tilespmem:$0xD800] =	vst v63  }
0xee: {  	_ =	swait.ge [sflag:s26], $0x1000  }
0xef: {  	[sflag:s26] =	ssyncset.done $0x0  }
0xf0: {  	[sflag:s26] =	ssyncadd.s32 $0xFFFFF000  }
0xf1: {  	_ =	swait.ge [sflag:s26], $0x900  }
0xf2: {  	[sflag:s26] =	ssyncset.done $0x0  }
0xf3: {  	s12 =	simm.s32 $0x97F0;
	[sflag:s26] =	ssyncadd.s32 $0xFFFFF700  }
0xf4: {  	v0 =	vld [tilespmem:s12+$0xFFFFFFD0]  }
0xf5: {  	v1 =	vld [tilespmem:s12+$0xFFFFFFE0]  }
0xf6: {  	v2 =	vld [tilespmem:s12+$0xFFFFFF90]  }
0xf7: {  	v3 =	vld [tilespmem:s12+$0xFFFFFFA0]  }
0xf8: {  	v9 =	vld [tilespmem:s12+$0xFFFFFF50]  }
0xf9: {  	v10 =	vld [tilespmem:s12+$0xFFFFFF60]  }
0xfa: {  	v6 =	vld [tilespmem:s12+$0xFFFFFF10]  }
0xfb: {  	v8 =	vld [tilespmem:s12+$0xFFFFFF20]  }
0xfc: {  	v5 =	vld [tilespmem:s12+$0xFFFFFED0]  }
0xfd: {  	v7 =	vld [tilespmem:s12+$0xFFFFFEE0]  }
0xfe: {  	v4 =	vld [tilespmem:s12+$0xFFFFFE90]  }
0xff: {  	v11 =	vld [tilespmem:s12+$0xFFFFFEA0]  }
0x100: {  	v12 =	vld [tilespmem:s12+$0xFFFFFE50]  }
0x101: {  	v13 =	vld [tilespmem:s12+$0xFFFFFE60]  }
0x102: {  	v14 =	vld [tilespmem:s12+$0xFFFFFE10]  }
0x103: {  	v15 =	vld [tilespmem:s12+$0xFFFFFE20]  }
0x104: {  	v54 =	vld [tilespmem:s12+$0xFFFFFE30]  }
0x105: {  	v55 =	vld [tilespmem:s12+$0xFFFFFE40]  }
0x106: {  	v56 =	vld [tilespmem:s12+$0xFFFFFE70]  }
0x107: {  	v57 =	vld [tilespmem:s12+$0xFFFFFE80]  }
0x108: {  	v58 =	vimm.f32 $0.0e+00;
	v21 =	vld [tilespmem:s12+$0xFFFFFEB0]  }
0x109: {  	v22 =	vld [tilespmem:s12+$0xFFFFFEC0];
	v14 =	vadd.f32 v14, v58;
	v15 =	vadd.f32 v15, v58  }
0x10a: {  	v59 =	vld [tilespmem:s12+$0xFFFFFEF0];
	v16 =	vadd.f32 v54, v58;
	v17 =	vadd.f32 v55, v58  }
0x10b: {  	v12 =	vadd.f32 v12, v14;
	v13 =	vadd.f32 v13, v15;
	v14 =	vld [tilespmem:s12+$0xFFFFFF00]  }
0x10c: {  	v61 =	vld [tilespmem:s12+$0xFFFFFF30];
	v15 =	vadd.f32 v56, v16;
	v60 =	vadd.f32 v57, v17  }
0x10d: {  	v12 =	vadd.f32 v4, v12;
	v11 =	vadd.f32 v11, v13;
	v13 =	vld [tilespmem:s12+$0xFFFFFF40]  }
0x10e: {  	v15 =	vadd.f32 v21, v15;
	v16 =	vadd.f32 v22, v60;
	v4 =	vld [tilespmem:s12+$0xFFFFFF70]  }
0x10f: {  	v12 =	vadd.f32 v5, v12;
	v11 =	vadd.f32 v7, v11;
	v7 =	vld [tilespmem:s12+$0xFFFFFF80]  }
0x110: {  	v15 =	vadd.f32 v59, v15;
	v5 =	vld [tilespmem:s12+$0xFFFFFFB0];
	v14 =	vadd.f32 v14, v16  }
0x111: {  	v62 =	vadd.f32 v6, v12;
	v63 =	vadd.f32 v8, v11;
	v8 =	vld [tilespmem:s12+$0xFFFFFFC0]  }
0x112: {  	v12 =	vadd.f32 v61, v15;
	v6 =	vld [tilespmem:s12+$0xFFFFFFF0];
	v11 =	vadd.f32 v13, v14  }
0x113: {  	s9 =	simm.s32 $0x0;
	s11 =	simm.s32 $0x99F0;
	v13 =	vadd.f32 v9, v62;
	v10 =	vadd.f32 v10, v63;
	v9 =	vld [tilespmem:s12+$0x0]  }
.LBB2_7:
0x114: {  	v14 =	vld [tilespmem:s11+$0xFFFFFFD0];
	v4 =	vadd.f32 v4, v12;
	v7 =	vadd.f32 v7, v11  }
0x115: {  	v11 =	vld [tilespmem:s11+$0xFFFFFFE0];
	v12 =	vadd.f32 v2, v13;
	v10 =	vadd.f32 v3, v10  }
0x116: {  	v2 =	vld [tilespmem:s11+$0xFFFFFF90];
	v4 =	vadd.f32 v5, v4;
	v5 =	vadd.f32 v8, v7  }
0x117: {  	v3 =	vld [tilespmem:s11+$0xFFFFFFA0];
	v7 =	vadd.f32 v0, v12;
	v8 =	vadd.f32 v1, v10  }
0x118: {  	v10 =	vld [tilespmem:s11+$0xFFFFFF50];
	v4 =	vadd.f32 v6, v4;
	v5 =	vadd.f32 v9, v5  }
0x119: {  	v9 =	vld [tilespmem:s11+$0xFFFFFF60];
	v0 =	vmov v14  }
0x11a: {  	v6 =	vld [tilespmem:s11+$0xFFFFFF10];
	v1 =	vmov v11  }
0x11b: {  	v11 =	vld [tilespmem:s11+$0xFFFFFF20]  }
0x11c: {  	v12 =	vld [tilespmem:s11+$0xFFFFFED0]  }
0x11d: {  	v13 =	vld [tilespmem:s11+$0xFFFFFEE0]  }
0x11e: {  	v14 =	vld [tilespmem:s11+$0xFFFFFE90]  }
0x11f: {  	v15 =	vld [tilespmem:s11+$0xFFFFFEA0]  }
0x120: {  	v16 =	vld [tilespmem:s11+$0xFFFFFE50]  }
0x121: {  	v17 =	vld [tilespmem:s11+$0xFFFFFE60]  }
0x122: {  	v18 =	vld [tilespmem:s11+$0xFFFFFE10]  }
0x123: {  	v19 =	vld [tilespmem:s11+$0xFFFFFE20]  }
0x124: {  	v20 =	vld [tilespmem:s11+$0xFFFFFE30]  }
0x125: {  	s9 =	sadd.s32 $0x8, s9;
	v21 =	vld [tilespmem:s11+$0xFFFFFE40]  }
0x126: {  	p1 =	slt.u32 s9, $0x58;
	v22 =	vld [tilespmem:s11+$0xFFFFFE70]  }
0x127: {  	v23 =	vld [tilespmem:s11+$0xFFFFFE80]  }
0x128: {  	v24 =	vld [tilespmem:s11+$0xFFFFFEB0]  }
0x129: {  	v7 =	vadd.f32 v18, v7;
	v8 =	vadd.f32 v19, v8;
	v18 =	vld [tilespmem:s11+$0xFFFFFEC0]  }
0x12a: {  	v4 =	vadd.f32 v20, v4;
	v5 =	vadd.f32 v21, v5;
	v19 =	vld [tilespmem:s11+$0xFFFFFEF0]  }
0x12b: {  	v7 =	vadd.f32 v16, v7;
	v8 =	vadd.f32 v17, v8;
	v16 =	vld [tilespmem:s11+$0xFFFFFF00]  }
0x12c: {  	v4 =	vadd.f32 v22, v4;
	v5 =	vadd.f32 v23, v5;
	v17 =	vld [tilespmem:s11+$0xFFFFFF30]  }
0x12d: {  	v7 =	vadd.f32 v14, v7;
	v8 =	vadd.f32 v15, v8;
	v14 =	vld [tilespmem:s11+$0xFFFFFF40]  }
0x12e: {  	v15 =	vadd.f32 v24, v4;
	v5 =	vadd.f32 v18, v5;
	v4 =	vld [tilespmem:s11+$0xFFFFFF70]  }
.Ltmp4:
0x12f: {  	v12 =	vadd.f32 v12, v7;
	v8 =	vadd.f32 v13, v8;
	v7 =	vld [tilespmem:s11+$0xFFFFFF80];
	(pc) =	sbr.rel @p1 .LBB2_7-.Ltmp4, $4  }
0x130: {  	v13 =	vadd.f32 v19, v15;
	v15 =	vadd.f32 v16, v5;
	v5 =	vld [tilespmem:s11+$0xFFFFFFB0]  }
0x131: {  	v16 =	vadd.f32 v6, v12;
	v18 =	vadd.f32 v11, v8;
	v8 =	vld [tilespmem:s11+$0xFFFFFFC0]  }
0x132: {  	v12 =	vadd.f32 v17, v13;
	v11 =	vadd.f32 v14, v15;
	v6 =	vld [tilespmem:s11+$0xFFFFFFF0]  }
0x133: {  	v13 =	vadd.f32 v10, v16;
	v10 =	vadd.f32 v9, v18;
	v9 =	vld [tilespmem:s11+$0x0];
	s11 =	sadd.s32 $0x200, s11  }
0x134: {  	v14 =	vld [tilespmem:$0xAE00]  }
0x135: {  	v15 =	vld [tilespmem:$0xAE10]  }
0x136: {  	v16 =	vld [tilespmem:$0xAE20]  }
0x137: {  	v17 =	vld [tilespmem:$0xAE30]  }
0x138: {  	v18 =	vld [tilespmem:$0xAE40]  }
0x139: {  	v19 =	vld [tilespmem:$0xAE50]  }
0x13a: {  	v20 =	vld [tilespmem:$0xAE60]  }
0x13b: {  	v4 =	vadd.f32 v4, v12;
	v12 =	vld [tilespmem:$0xAE70]  }
0x13c: {  	v7 =	vadd.f32 v7, v11;
	v11 =	vld [tilespmem:$0xAE80];
	v2 =	vadd.f32 v2, v13  }
0x13d: {  	v3 =	vadd.f32 v3, v10;
	v10 =	vld [tilespmem:$0xAEF0];
	v4 =	vadd.f32 v5, v4  }
0x13e: {  	v5 =	vld [tilespmem:$0xAE90];
	v7 =	vadd.f32 v8, v7  }
0x13f: {  	v8 =	vld [tilespmem:$0xAEA0];
	v0 =	vadd.f32 v0, v2;
	v2 =	vadd.f32 v6, v4  }
0x140: {  	v1 =	vadd.f32 v1, v3;
	v4 =	vld [tilespmem:$0xAEB0];
	v3 =	vadd.f32 v9, v7  }
0x141: {  	v6 =	vld [tilespmem:$0xAEC0];
	v0 =	vadd.f32 v14, v0;
	v2 =	vadd.f32 v16, v2  }
0x142: {  	v9 =	vld [tilespmem:$0xAEE0];
	v1 =	vadd.f32 v15, v1;
	v3 =	vadd.f32 v17, v3  }
0x143: {  	v7 =	vld [tilespmem:$0xAED0];
	v0 =	vadd.f32 v18, v0;
	v2 =	vadd.f32 v20, v2  }
0x144: {  	v1 =	vadd.f32 v19, v1;
	v3 =	vadd.f32 v12, v3  }
0x145: {  	v0 =	vadd.f32 v11, v0;
	v2 =	vadd.f32 v8, v2  }
0x146: {  	v1 =	vadd.f32 v5, v1;
	v3 =	vadd.f32 v4, v3  }
0x147: {  	v0 =	vadd.f32 v6, v0;
	v2 =	vadd.f32 v9, v2  }
0x148: {  	v1 =	vadd.f32 v7, v1;
	v3 =	vadd.f32 v10, v3  }
0x149: {  	v0 =	vadd.f32 v2, v0  }
0x14a: {  	v1 =	vadd.f32 v3, v1  }
0x14b: {  	[tilespmem:s1+$0xC840] =	vst v0  }
0x14c: {  	s9 =	sadd.s32 @!p0 $0x4B0, s0;
	s11 =	simm.s32 @!p0 $0x80;
	s12 =	simm.s32 @!p0 $0x9600;
	[tilespmem:s1+$0xC850] =	vst v1  }
0x14d: {  	[tilespmem:s12], [sflag:$0x3] =	stream.indirect.gather @!p0 [hbm4b:s3+s11], $0x20, s9, s11, $0xb8;
	[tilespmem:$0xD800] =	vst v63  }
0x14e: {  	s0 =	sadd.s32 @!p0 $0x530, s0;
	s9 =	simm.s32 @!p0 $0x48;
	s11 =	simm.s32 @!p0 $0xA600  }
0x14f: {  	[tilespmem:s11], [sflag:$0x3] =	stream.indirect.gather @!p0 [hbm4b:s3+s9], $0x20, s0, s9, $0xb8;
	[tilespmem:$0xD800] =	vst v63  }
0x150: {  	_ =	swait.ge [sflag:s28], $0x1000  }
0x151: {  	[sflag:s28] =	ssyncset.done $0x0  }
0x152: {  	[sflag:s28] =	ssyncadd.s32 $0xFFFFF000  }
0x153: {  	_ =	swait.ge [sflag:s28], $0x900  }
0x154: {  	[sflag:s28] =	ssyncset.done $0x0  }
0x155: {  	s12 =	simm.s32 $0xAF00;
	[sflag:s28] =	ssyncadd.s32 $0xFFFFF700  }
0x156: {  	v0 =	vld [tilespmem:s12+$0x1C0]  }
0x157: {  	v1 =	vld [tilespmem:s12+$0x1D0]  }
0x158: {  	v2 =	vld [tilespmem:s12+$0x180]  }
0x159: {  	v3 =	vld [tilespmem:s12+$0x190]  }
0x15a: {  	v9 =	vld [tilespmem:s12+$0x140]  }
0x15b: {  	v10 =	vld [tilespmem:s12+$0x150]  }
0x15c: {  	v6 =	vld [tilespmem:s12+$0x100]  }
0x15d: {  	v8 =	vld [tilespmem:s12+$0x110]  }
0x15e: {  	v5 =	vld [tilespmem:s12+$0xC0]  }
0x15f: {  	v7 =	vld [tilespmem:s12+$0xD0]  }
0x160: {  	v4 =	vld [tilespmem:s12+$0x80]  }
0x161: {  	v11 =	vld [tilespmem:s12+$0x90]  }
0x162: {  	v12 =	vld [tilespmem:s12+$0x40]  }
0x163: {  	v13 =	vld [tilespmem:s12+$0x50]  }
0x164: {  	v14 =	vld [tilespmem:s12+$0x0]  }
0x165: {  	v15 =	vld [tilespmem:s12+$0x10]  }
0x166: {  	v54 =	vld [tilespmem:s12+$0x20]  }
0x167: {  	v55 =	vld [tilespmem:s12+$0x30]  }
0x168: {  	v56 =	vld [tilespmem:s12+$0x60]  }
0x169: {  	v57 =	vld [tilespmem:s12+$0x70]  }
0x16a: {  	v58 =	vimm.f32 $0.0e+00;
	v21 =	vld [tilespmem:s12+$0xA0]  }
0x16b: {  	v22 =	vld [tilespmem:s12+$0xB0];
	v14 =	vadd.f32 v14, v58;
	v15 =	vadd.f32 v15, v58  }
0x16c: {  	v59 =	vld [tilespmem:s12+$0xE0];
	v16 =	vadd.f32 v54, v58;
	v17 =	vadd.f32 v55, v58  }
0x16d: {  	v12 =	vadd.f32 v12, v14;
	v13 =	vadd.f32 v13, v15;
	v14 =	vld [tilespmem:s12+$0xF0]  }
0x16e: {  	v61 =	vld [tilespmem:s12+$0x120];
	v15 =	vadd.f32 v56, v16;
	v60 =	vadd.f32 v57, v17  }
0x16f: {  	v12 =	vadd.f32 v4, v12;
	v11 =	vadd.f32 v11, v13;
	v13 =	vld [tilespmem:s12+$0x130]  }
0x170: {  	v15 =	vadd.f32 v21, v15;
	v16 =	vadd.f32 v22, v60;
	v4 =	vld [tilespmem:s12+$0x160]  }
0x171: {  	v12 =	vadd.f32 v5, v12;
	v11 =	vadd.f32 v7, v11;
	v7 =	vld [tilespmem:s12+$0x170]  }
0x172: {  	v15 =	vadd.f32 v59, v15;
	v5 =	vld [tilespmem:s12+$0x1A0];
	v14 =	vadd.f32 v14, v16  }
0x173: {  	v62 =	vadd.f32 v6, v12;
	v63 =	vadd.f32 v8, v11;
	v8 =	vld [tilespmem:s12+$0x1B0]  }
0x174: {  	v12 =	vadd.f32 v61, v15;
	v6 =	vld [tilespmem:s12+$0x1E0];
	v11 =	vadd.f32 v13, v14  }
0x175: {  	s0 =	simm.s32 $0x0;
	s9 =	simm.s32 $0xB100;
	v13 =	vadd.f32 v9, v62;
	v10 =	vadd.f32 v10, v63;
	v9 =	vld [tilespmem:s12+$0x1F0]  }
.LBB2_9:
0x176: {  	v14 =	vld [tilespmem:s9+$0x1C0];
	v4 =	vadd.f32 v4, v12;
	v7 =	vadd.f32 v7, v11  }
0x177: {  	v11 =	vld [tilespmem:s9+$0x1D0];
	v12 =	vadd.f32 v2, v13;
	v10 =	vadd.f32 v3, v10  }
0x178: {  	v2 =	vld [tilespmem:s9+$0x180];
	v4 =	vadd.f32 v5, v4;
	v5 =	vadd.f32 v8, v7  }
0x179: {  	v3 =	vld [tilespmem:s9+$0x190];
	v7 =	vadd.f32 v0, v12;
	v8 =	vadd.f32 v1, v10  }
0x17a: {  	v10 =	vld [tilespmem:s9+$0x140];
	v4 =	vadd.f32 v6, v4;
	v5 =	vadd.f32 v9, v5  }
0x17b: {  	v9 =	vld [tilespmem:s9+$0x150];
	v0 =	vmov v14  }
0x17c: {  	v6 =	vld [tilespmem:s9+$0x100];
	v1 =	vmov v11  }
0x17d: {  	v11 =	vld [tilespmem:s9+$0x110]  }
0x17e: {  	v12 =	vld [tilespmem:s9+$0xC0]  }
0x17f: {  	v13 =	vld [tilespmem:s9+$0xD0]  }
0x180: {  	v14 =	vld [tilespmem:s9+$0x80]  }
0x181: {  	v15 =	vld [tilespmem:s9+$0x90]  }
0x182: {  	v16 =	vld [tilespmem:s9+$0x40]  }
0x183: {  	v17 =	vld [tilespmem:s9+$0x50]  }
0x184: {  	v18 =	vld [tilespmem:s9+$0x0]  }
0x185: {  	v19 =	vld [tilespmem:s9+$0x10]  }
0x186: {  	v20 =	vld [tilespmem:s9+$0x20]  }
0x187: {  	s0 =	sadd.s32 $0x8, s0;
	v21 =	vld [tilespmem:s9+$0x30]  }
0x188: {  	p1 =	slt.u32 s0, $0x58;
	v22 =	vld [tilespmem:s9+$0x60]  }
0x189: {  	v23 =	vld [tilespmem:s9+$0x70]  }
0x18a: {  	v24 =	vld [tilespmem:s9+$0xA0]  }
0x18b: {  	v7 =	vadd.f32 v18, v7;
	v8 =	vadd.f32 v19, v8;
	v18 =	vld [tilespmem:s9+$0xB0]  }
0x18c: {  	v4 =	vadd.f32 v20, v4;
	v5 =	vadd.f32 v21, v5;
	v19 =	vld [tilespmem:s9+$0xE0]  }
0x18d: {  	v7 =	vadd.f32 v16, v7;
	v8 =	vadd.f32 v17, v8;
	v16 =	vld [tilespmem:s9+$0xF0]  }
0x18e: {  	v4 =	vadd.f32 v22, v4;
	v5 =	vadd.f32 v23, v5;
	v17 =	vld [tilespmem:s9+$0x120]  }
0x18f: {  	v7 =	vadd.f32 v14, v7;
	v8 =	vadd.f32 v15, v8;
	v14 =	vld [tilespmem:s9+$0x130]  }
0x190: {  	v15 =	vadd.f32 v24, v4;
	v5 =	vadd.f32 v18, v5;
	v4 =	vld [tilespmem:s9+$0x160]  }
.Ltmp5:
0x191: {  	v12 =	vadd.f32 v12, v7;
	v8 =	vadd.f32 v13, v8;
	v7 =	vld [tilespmem:s9+$0x170];
	(pc) =	sbr.rel @p1 .LBB2_9-.Ltmp5, $4  }
0x192: {  	v13 =	vadd.f32 v19, v15;
	v15 =	vadd.f32 v16, v5;
	v5 =	vld [tilespmem:s9+$0x1A0]  }
0x193: {  	v16 =	vadd.f32 v6, v12;
	v18 =	vadd.f32 v11, v8;
	v8 =	vld [tilespmem:s9+$0x1B0]  }
0x194: {  	v12 =	vadd.f32 v17, v13;
	v11 =	vadd.f32 v14, v15;
	v6 =	vld [tilespmem:s9+$0x1E0]  }
0x195: {  	v13 =	vadd.f32 v10, v16;
	v10 =	vadd.f32 v9, v18;
	v9 =	vld [tilespmem:s9+$0x1F0];
	s9 =	sadd.s32 $0x200, s9  }
0x196: {  	v14 =	vld [tilespmem:$0xC700]  }
0x197: {  	v15 =	vld [tilespmem:$0xC710]  }
0x198: {  	v16 =	vld [tilespmem:$0xC720]  }
0x199: {  	v17 =	vld [tilespmem:$0xC730]  }
0x19a: {  	v18 =	vld [tilespmem:$0xC740]  }
0x19b: {  	v19 =	vld [tilespmem:$0xC750]  }
0x19c: {  	v20 =	vld [tilespmem:$0xC760]  }
0x19d: {  	v4 =	vadd.f32 v4, v12;
	v53 =	vld [tilespmem:$0xC770]  }
0x19e: {  	v7 =	vadd.f32 v7, v11;
	v54 =	vld [tilespmem:$0xC780]  }
0x19f: {  	v55 =	vld [tilespmem:$0xC790];
	v2 =	vadd.f32 v2, v13;
	v4 =	vadd.f32 v5, v4  }
0x1a0: {  	v56 =	vld [tilespmem:$0xC7A0];
	v3 =	vadd.f32 v3, v10;
	v7 =	vadd.f32 v8, v7  }
0x1a1: {  	v58 =	vld [tilespmem:$0xC7B0];
	v0 =	vadd.f32 v0, v2;
	v57 =	vadd.f32 v6, v4  }
0x1a2: {  	v60 =	vld [tilespmem:$0xC7C0];
	v1 =	vadd.f32 v1, v3;
	v59 =	vadd.f32 v9, v7  }
0x1a3: {  	v61 =	vld [tilespmem:$0xC7D0];
	v0 =	vadd.f32 v14, v0;
	v2 =	vadd.f32 v16, v57  }
0x1a4: {  	v62 =	vld [tilespmem:$0xC7E0];
	v1 =	vadd.f32 v15, v1;
	v3 =	vadd.f32 v17, v59  }
0x1a5: {  	v63 =	vld [tilespmem:$0xC7F0];
	v0 =	vadd.f32 v18, v0;
	v2 =	vadd.f32 v20, v2  }
0x1a6: {  	v1 =	vadd.f32 v19, v1;
	v3 =	vadd.f32 v53, v3  }
0x1a7: {  	v0 =	vadd.f32 v54, v0;
	v2 =	vadd.f32 v56, v2  }
0x1a8: {  	v1 =	vadd.f32 v55, v1;
	v3 =	vadd.f32 v58, v3  }
0x1a9: {  	v0 =	vadd.f32 v60, v0;
	v2 =	vadd.f32 v62, v2  }
.Ltmp6:
0x1aa: {  	v1 =	vadd.f32 v61, v1;
	v3 =	vadd.f32 v63, v3;
	(pc) =	sbr.rel @p0 .LBB2_12-.Ltmp6, $4  }
0x1ab: {  	v0 =	vadd.f32 v2, v0  }
0x1ac: {  	v1 =	vadd.f32 v3, v1  }
0x1ad: {  	[tilespmem:s1+$0xC860] =	vst v0  }
0x1ae: {  	[tilespmem:s1+$0xC870] =	vst v1  }
0x1af: {  	s0 =	smul.u32 $0xC80, s31;
	_ =	sdelay $0x1  }
.Ltmp7:
0x1b0: {  	s0 =	sshra.s32 s0, $0x2;
	(pc) =	sbr.rel .LBB2_2-.Ltmp7, $4  }
0x1b1: {  	s1 =	sadd.s32 $0x578, s0  }
0x1b2: {  	[tilespmem:s21], [sflag:$0x4] =	stream.indirect.gather [hbm4b:s3+s8], $0x20, s1, s8, $0xb8;
	[tilespmem:$0xD800] =	vst v63  }
0x1b3: {  	s31 =	sadd.s32 $0x1, s31;
	s0 =	sadd.s32 $0x5F8, s0  }
0x1b4: {  	[tilespmem:s23], [sflag:$0x4] =	stream.indirect.gather [hbm4b:s3+s10], $0x20, s0, s10, $0xb8;
	[tilespmem:$0xD800] =	vst v63  }
.LBB2_13:
0x1b5: {  	_ =	sfence.sel $0x180000  }
0x1b6: {  	[bflag:$0x0] =	sbarrier.arrive $0xFFFF  }
0x1b7: {  	_ =	strace $0x90000047  }
0x1b8: {  	s0 =	stileid.u32;
	[bflag:$0x2] =	sbarrier.arrive $0xFFFF  }
0x1b9: {  	p0 =	sne.s32 s0, $0x0;
	s0 =	rddreg [dreg:$0x1]  }
0x1ba: {  	s0 =	sadd.s32 @!p0 $0x100000, s0  }
0x1bb: {  	[sflag:s0] =	ssyncadd.tile.s32 @!p0 $0x1;
	_ =	shalt  }
.Lfunc_end2:
_tile_overlayer_lowered:
.L_overlay_start_2:
0x1bc: {  	(tag) =	ssettag $0x2  }
0x1bd: {  	s0 =	rddreg [dreg:$0x0];
	s2 =	stileid.u32  }
0x1be: {  	s1 =	rddreg [dreg:$0x1];
	p0 =	sne.s32 s2, $0x0  }
0x1bf: {  	s3 =	rddreg [dreg:$0x2];
	[bflag:$0x3] =	sbarrier.arrive $0xFFFF;
	s2 =	simm.s32 @!p0 $0x1C05  }
0x1c0: {  	[timem:s3], [sflag:s2] =	dma.local @!p0 [hbm:s0], s1  }
0x1c1: {  	s0 =	simm.s32 @!p0 $0x5  }
0x1c2: {  	_ =	swait.ge @!p0 [sflag:s0], s1  }
0x1c3: {  	s1 =	ssub.s32 @!p0 $0x0, s1;
	[sflag:s0] =	ssyncset.done @!p0 $0x0  }
0x1c4: {  	[sflag:s0] =	ssyncadd.s32 @!p0 s1  }
0x1c5: {  	[bflag:$0x3] =	sbarrier.arrive $0xFFFF  }
0x1c6: {  	_ =	shalt  }

</sc_bundles>
